<compile_context>
chip_gen: v7x
topology: tpu7x:2x2x1
jax: 0.10.2.dev20260603
libtpu: 0.0.44.dev20260713+nightly
codegen_flags: <defaults>
</compile_context>

<pallas_src>
import functools

import jax
import jax.numpy as jnp
from jax import lax
from jax.experimental import pallas as pl
from jax.experimental.pallas import tpu as pltpu
from jax.experimental.pallas import tpu_sc as plsc

N_NODES = 10000
D_FEAT = 256
D_OUT = 256

H = 128
HA = 144
NC = 2
NT = 16
CHUNK = 128
N_PAD = 10112
ROWS_PER_TILE = N_PAD // NT


def _sc_aggregate(xh, colp, rowp, zrows, e_pad):
    edges_per_tile = e_pad // NT
    n_chunks = edges_per_tile // CHUNK
    mesh = plsc.VectorSubcoreMesh(core_axis_name="c", subcore_axis_name="s")

    @functools.partial(
        pl.kernel,
        out_type=jax.ShapeDtypeStruct((NC * N_PAD, HA), jnp.float32),
        mesh=mesh,
        scratch_types=[
            pltpu.VMEM((CHUNK,), jnp.int32),
            pltpu.VMEM((CHUNK,), jnp.int32),
            pltpu.VMEM((CHUNK, HA), jnp.float32),
            pltpu.VMEM_SHARED((N_PAD, HA), jnp.float32),
            pltpu.SemaphoreType.DMA,
        ],
        compiler_params=pltpu.CompilerParams(use_tc_tiling_on_sc=False),
    )
    def sc_kernel(xh_h, col_h, row_h, zrows_h, agg_h,
                  colv, rowv, rows_v, acc_sp, sem):
        cid = lax.axis_index("c")
        sid = lax.axis_index("s")
        rbase = sid * ROWS_PER_TILE
        out_base = cid * N_PAD + rbase
        sizes = [CHUNK] * 4 + [ROWS_PER_TILE - 4 * CHUNK]

        off = 0
        for sz in sizes:
            pltpu.sync_copy(zrows_h.at[pl.ds(off, sz)],
                            rows_v.at[pl.ds(0, sz)])
            pltpu.sync_copy(rows_v.at[pl.ds(0, sz)],
                            acc_sp.at[pl.ds(rbase + off, sz)])
            off += sz
        plsc.subcore_barrier()

        ebase = sid * edges_per_tile

        @pl.loop(0, n_chunks)
        def chunk_body(k):
            pltpu.sync_copy(col_h.at[pl.ds(cid * e_pad + ebase + k * CHUNK,
                                           CHUNK)], colv)
            pltpu.sync_copy(row_h.at[pl.ds(ebase + k * CHUNK, CHUNK)], rowv)
            pltpu.sync_copy(xh_h.at[colv], rows_v)
            pltpu.sync_copy(rows_v, acc_sp.at[rowv], add=True)

        plsc.subcore_barrier()

        off = 0
        for sz in sizes:
            pltpu.sync_copy(acc_sp.at[pl.ds(rbase + off, sz)],
                            rows_v.at[pl.ds(0, sz)])
            pltpu.sync_copy(rows_v.at[pl.ds(0, sz)],
                            agg_h.at[pl.ds(out_base + off, sz)])
            off += sz

    return sc_kernel(xh, colp, rowp, zrows)


def _tc_linear(x, agg, wx, wa0, wa1, b2d):
    BM = 1024
    grid = pl.cdiv(N_NODES, BM)

    def body(x_ref, a_ref, wx_ref, wa0_ref, wa1_ref, b_ref, o_ref):
        a0 = a_ref[0]
        a1 = a_ref[1]
        deg = jnp.maximum(a0[:, H:H + 1], 1.0)
        r = 1.0 / deg
        acc = jnp.dot(x_ref[...], wx_ref[...],
                      preferred_element_type=jnp.float32)
        acc = acc + jnp.dot(a0[:, :H] * r, wa0_ref[...],
                            preferred_element_type=jnp.float32)
        acc = acc + jnp.dot(a1[:, :H] * r, wa1_ref[...],
                            preferred_element_type=jnp.float32)
        o_ref[...] = acc + b_ref[...]

    return pl.pallas_call(
        body,
        grid=(grid,),
        in_specs=[
            pl.BlockSpec((BM, D_FEAT), lambda i: (i, 0)),
            pl.BlockSpec((NC, BM, HA), lambda i: (0, i, 0)),
            pl.BlockSpec((D_FEAT, D_OUT), lambda i: (0, 0)),
            pl.BlockSpec((H, D_OUT), lambda i: (0, 0)),
            pl.BlockSpec((H, D_OUT), lambda i: (0, 0)),
            pl.BlockSpec((1, D_OUT), lambda i: (0, 0)),
        ],
        out_specs=pl.BlockSpec((BM, D_OUT), lambda i: (i, 0)),
        out_shape=jax.ShapeDtypeStruct((N_NODES, D_OUT), jnp.float32),
    )(x, agg, wx, wa0, wa1, b2d)


@jax.jit
def kernel(x, edge_index, W, b):
    n_edges = edge_index.shape[1]
    e_pad = ((n_edges + NT * CHUNK - 1) // (NT * CHUNK)) * (NT * CHUNK)

    row = edge_index[0]
    col = edge_index[1]
    pad_e = e_pad - n_edges
    rowp = jnp.concatenate([row, jnp.full((pad_e,), N_NODES, jnp.int32)])
    colp = jnp.concatenate([col, jnp.full((pad_e,), N_NODES, jnp.int32)])
    colp = jnp.concatenate([colp, colp + N_PAD])

    xh = jnp.zeros((NC * N_PAD, HA), jnp.float32)
    xh = xh.at[:N_NODES, :H].set(x[:, :H])
    xh = xh.at[N_PAD:N_PAD + N_NODES, :H].set(x[:, H:])
    xh = xh.at[:N_NODES, H].set(1.0)
    xh = xh.at[N_PAD:N_PAD + N_NODES, H].set(1.0)

    zrows = jnp.zeros((ROWS_PER_TILE, HA), jnp.float32)

    agg2 = _sc_aggregate(xh, colp, rowp, zrows, e_pad)
    agg = agg2.reshape(NC, N_PAD, HA)

    wx = W[:, :D_FEAT].T
    wa0 = W[:, D_FEAT:D_FEAT + H].T
    wa1 = W[:, D_FEAT + H:].T
    b2d = b[None, :]

    return _tc_linear(x, agg, wx, wa0, wa1, b2d)

# --- scband reference (transcript-rebuilt; emitter-appended) ---
"""Pipeline reference for scband-graph-sagelayer-80522046866009 (READ-ONLY COPY).

The authoritative reference and input builder live on the scoring server;
editing this copy changes nothing except your own understanding.
"""

import jax, jax.numpy as jnp
import numpy as np

N_NODES = 10000
N_EDGES = 160000
D_FEAT = 256
D_OUT = 256


def setup_inputs(seed: int = 0) -> dict:
    key = jax.random.key(seed)
    k1, k2, k3, k4 = jax.random.split(key, 4)
    x = jax.random.normal(k1, (N_NODES, D_FEAT), dtype=jnp.float32)
    edge_index = jax.random.randint(k2, (2, N_EDGES), 0, N_NODES, dtype=jnp.int32)
    fan_in = 2 * D_FEAT
    bound = 1.0 / np.sqrt(fan_in)
    W = jax.random.uniform(k3, (D_OUT, 2 * D_FEAT), dtype=jnp.float32, minval=-bound, maxval=bound)
    b = jax.random.uniform(k4, (D_OUT,), dtype=jnp.float32, minval=-bound, maxval=bound)
    return {"x": x, "edge_index": edge_index, "W": W, "b": b}


def reference(x, edge_index, W, b):
    row = edge_index[0]
    col = edge_index[1]
    # mean aggregation over incoming neighbors (scatter-add + degree normalize)
    agg = jnp.zeros_like(x).at[row].add(x[col])
    deg = jnp.bincount(row, length=x.shape[0]).astype(x.dtype)
    deg = jnp.maximum(deg, 1.0)[:, None]
    agg = agg / deg
    out = jnp.concatenate([x, agg], axis=-1) @ W.T + b
    return out

if __name__ == "__main__":
    import jax
    _d = setup_inputs()
    print(jax.jit(kernel)(*tuple(_d.values())))

</pallas_src>

<mosaic_0001>
#map = affine_map<(d0, d1) -> (0, 0)>
#map1 = affine_map<(d0, d1) -> (0)>
module attributes {stable_mosaic.version = 14 : i64} {
  func.func @sc_kernel(%arg0: i32, %arg1: i32, %arg2: memref<20224x144xf32, #tpu.memory_space<hbm>>, %arg3: memref<323584xi32, #tpu.memory_space<hbm>>, %arg4: memref<161792xi32, #tpu.memory_space<hbm>>, %arg5: memref<632x144xf32, #tpu.memory_space<hbm>>, %arg6: memref<20224x144xf32, #tpu.memory_space<hbm>>, %arg7: memref<128xi32, #tpu.memory_space<vmem>>, %arg8: memref<128xi32, #tpu.memory_space<vmem>>, %arg9: memref<128x144xf32, #tpu.memory_space<vmem>>, %arg10: memref<10112x144xf32, #tpu.memory_space<vmem_shared>>, %arg11: memref<!tpu.dma_semaphore, #tpu.memory_space<semaphore_mem>>) attributes {dimension_semantics = [#tpu.dimension_semantics<core_parallel>, #tpu.dimension_semantics<subcore_parallel>], iteration_bounds = array<i64: 2, 16>, scalar_prefetch = 0 : i64, scratch_operands = 5 : i64, tpu.core_type = #tpu.core_type<sc_vector_subcore>, window_params = [{transform_indices = #map}, {transform_indices = #map1}, {transform_indices = #map1}, {transform_indices = #map}, {transform_indices = #map}]} {
    %mul3A = arith.constant 632 : i32
    %mul3A_0 = arith.muli %arg1, %mul3A : i32
    %mul3A_1 = arith.constant 10112 : i32
    %mul3A_2 = arith.muli %arg0, %mul3A_1 : i32
    %add3A = arith.addi %mul3A_2, %mul3A_0 : i32
    "tpu.region"() ({
      %run_scoped3A = tpu.sem_alloc : memref<!tpu.dma_semaphore, #tpu.memory_space<semaphore_mem>>
      %dma_start3A = arith.constant 0 : i32
      %dma_start3A_40 = arith.constant 0 : i32
      %dma_start3A_41 = tpu.memref_slice %arg9[%dma_start3A, %dma_start3A_40] : memref<128x144xf32, #tpu.memory_space<vmem>> -> memref<128x144xf32, #tpu.memory_space<vmem>>
      %dma_start3A_42 = arith.constant 0 : i32
      %dma_start3A_43 = arith.constant 0 : i32
      %dma_start3A_44 = tpu.memref_slice %arg5[%dma_start3A_42, %dma_start3A_43] : memref<632x144xf32, #tpu.memory_space<hbm>> -> memref<128x144xf32, #tpu.memory_space<hbm>>
      %dma_start3A_45 = arith.constant 0 : i32
      %dma_start3A_46 = arith.constant 0 : i32
      %dma_start3A_47 = tpu.memref_slice %arg9[%dma_start3A_45, %dma_start3A_46] : memref<128x144xf32, #tpu.memory_space<vmem>> -> memref<128x144xf32, #tpu.memory_space<vmem>>
      %dma_start3A_48 = arith.constant 0 : i32
      %dma_start3A_49 = arith.constant 0 : i32
      %dma_start3A_50 = tpu.memref_slice %arg5[%dma_start3A_48, %dma_start3A_49] : memref<632x144xf32, #tpu.memory_space<hbm>> -> memref<128x144xf32, #tpu.memory_space<hbm>>
      tpu.enqueue_dma source(%dma_start3A_50 : memref<128x144xf32, #tpu.memory_space<hbm>>) target(%dma_start3A_47 : memref<128x144xf32, #tpu.memory_space<vmem>>) target_semaphore(%run_scoped3A : memref<!tpu.dma_semaphore, #tpu.memory_space<semaphore_mem>>)
      %dma_wait3A = arith.constant 0 : i32
      %dma_wait3A_51 = arith.constant 0 : i32
      %dma_wait3A_52 = tpu.memref_slice %arg9[%dma_wait3A, %dma_wait3A_51] : memref<128x144xf32, #tpu.memory_space<vmem>> -> memref<128x144xf32, #tpu.memory_space<vmem>>
      %dma_wait3A_53 = arith.constant 0 : i32
      %dma_wait3A_54 = arith.constant 0 : i32
      %dma_wait3A_55 = tpu.memref_slice %arg5[%dma_wait3A_53, %dma_wait3A_54] : memref<632x144xf32, #tpu.memory_space<hbm>> -> memref<128x144xf32, #tpu.memory_space<hbm>>
      %dma_wait3A_56 = arith.constant 0 : i32
      %dma_wait3A_57 = arith.constant 0 : i32
      %dma_wait3A_58 = tpu.memref_slice %arg9[%dma_wait3A_56, %dma_wait3A_57] : memref<128x144xf32, #tpu.memory_space<vmem>> -> memref<128x144xf32, #tpu.memory_space<vmem>>
      %dma_wait3A_59 = arith.constant 0 : i32
      %dma_wait3A_60 = arith.constant 0 : i32
      %dma_wait3A_61 = tpu.memref_slice %arg5[%dma_wait3A_59, %dma_wait3A_60] : memref<632x144xf32, #tpu.memory_space<hbm>> -> memref<128x144xf32, #tpu.memory_space<hbm>>
      tpu.wait_dma2 semaphore(%run_scoped3A : memref<!tpu.dma_semaphore, #tpu.memory_space<semaphore_mem>>) src(%dma_wait3A_61 : memref<128x144xf32, #tpu.memory_space<hbm>>) dst(%dma_wait3A_58 : memref<128x144xf32, #tpu.memory_space<vmem>>)
      tpu.yield
    }) : () -> ()
    %add3A_3 = arith.constant 0 : i32
    %add3A_4 = arith.addi %mul3A_0, %add3A_3 : i32
    "tpu.region"() ({
      %run_scoped3A = tpu.sem_alloc : memref<!tpu.dma_semaphore, #tpu.memory_space<semaphore_mem>>
      %dma_start3A = arith.constant 0 : i32
      %dma_start3A_40 = arith.constant 0 : i32
      %dma_start3A_41 = tpu.memref_slice %arg9[%dma_start3A, %dma_start3A_40] : memref<128x144xf32, #tpu.memory_space<vmem>> -> memref<128x144xf32, #tpu.memory_space<vmem>>
      %dma_start3A_42 = arith.constant 0 : i32
      %dma_start3A_43 = tpu.memref_slice %arg10[%add3A_4, %dma_start3A_42] : memref<10112x144xf32, #tpu.memory_space<vmem_shared>> -> memref<128x144xf32, #tpu.memory_space<vmem_shared>>
      %dma_start3A_44 = arith.constant 0 : i32
      %dma_start3A_45 = tpu.memref_slice %arg10[%add3A_4, %dma_start3A_44] : memref<10112x144xf32, #tpu.memory_space<vmem_shared>> -> memref<128x144xf32, #tpu.memory_space<vmem_shared>>
      %dma_start3A_46 = arith.constant 0 : i32
      %dma_start3A_47 = arith.constant 0 : i32
      %dma_start3A_48 = tpu.memref_slice %arg9[%dma_start3A_46, %dma_start3A_47] : memref<128x144xf32, #tpu.memory_space<vmem>> -> memref<128x144xf32, #tpu.memory_space<vmem>>
      tpu.enqueue_dma source(%dma_start3A_48 : memref<128x144xf32, #tpu.memory_space<vmem>>) target(%dma_start3A_45 : memref<128x144xf32, #tpu.memory_space<vmem_shared>>) target_semaphore(%run_scoped3A : memref<!tpu.dma_semaphore, #tpu.memory_space<semaphore_mem>>)
      %dma_wait3A = arith.constant 0 : i32
      %dma_wait3A_49 = arith.constant 0 : i32
      %dma_wait3A_50 = tpu.memref_slice %arg9[%dma_wait3A, %dma_wait3A_49] : memref<128x144xf32, #tpu.memory_space<vmem>> -> memref<128x144xf32, #tpu.memory_space<vmem>>
      %dma_wait3A_51 = arith.constant 0 : i32
      %dma_wait3A_52 = tpu.memref_slice %arg10[%add3A_4, %dma_wait3A_51] : memref<10112x144xf32, #tpu.memory_space<vmem_shared>> -> memref<128x144xf32, #tpu.memory_space<vmem_shared>>
      %dma_wait3A_53 = arith.constant 0 : i32
      %dma_wait3A_54 = tpu.memref_slice %arg10[%add3A_4, %dma_wait3A_53] : memref<10112x144xf32, #tpu.memory_space<vmem_shared>> -> memref<128x144xf32, #tpu.memory_space<vmem_shared>>
      %dma_wait3A_55 = arith.constant 0 : i32
      %dma_wait3A_56 = arith.constant 0 : i32
      %dma_wait3A_57 = tpu.memref_slice %arg9[%dma_wait3A_55, %dma_wait3A_56] : memref<128x144xf32, #tpu.memory_space<vmem>> -> memref<128x144xf32, #tpu.memory_space<vmem>>
      tpu.wait_dma2 semaphore(%run_scoped3A : memref<!tpu.dma_semaphore, #tpu.memory_space<semaphore_mem>>) src(%dma_wait3A_57 : memref<128x144xf32, #tpu.memory_space<vmem>>) dst(%dma_wait3A_54 : memref<128x144xf32, #tpu.memory_space<vmem_shared>>)
      tpu.yield
    }) : () -> ()
    "tpu.region"() ({
      %run_scoped3A = tpu.sem_alloc : memref<!tpu.dma_semaphore, #tpu.memory_space<semaphore_mem>>
      %dma_start3A = arith.constant 0 : i32
      %dma_start3A_40 = arith.constant 0 : i32
      %dma_start3A_41 = tpu.memref_slice %arg9[%dma_start3A, %dma_start3A_40] : memref<128x144xf32, #tpu.memory_space<vmem>> -> memref<128x144xf32, #tpu.memory_space<vmem>>
      %dma_start3A_42 = arith.constant 128 : i32
      %dma_start3A_43 = arith.constant 0 : i32
      %dma_start3A_44 = tpu.memref_slice %arg5[%dma_start3A_42, %dma_start3A_43] : memref<632x144xf32, #tpu.memory_space<hbm>> -> memref<128x144xf32, #tpu.memory_space<hbm>>
      %dma_start3A_45 = arith.constant 0 : i32
      %dma_start3A_46 = arith.constant 0 : i32
      %dma_start3A_47 = tpu.memref_slice %arg9[%dma_start3A_45, %dma_start3A_46] : memref<128x144xf32, #tpu.memory_space<vmem>> -> memref<128x144xf32, #tpu.memory_space<vmem>>
      %dma_start3A_48 = arith.constant 128 : i32
      %dma_start3A_49 = arith.constant 0 : i32
      %dma_start3A_50 = tpu.memref_slice %arg5[%dma_start3A_48, %dma_start3A_49] : memref<632x144xf32, #tpu.memory_space<hbm>> -> memref<128x144xf32, #tpu.memory_space<hbm>>
      tpu.enqueue_dma source(%dma_start3A_50 : memref<128x144xf32, #tpu.memory_space<hbm>>) target(%dma_start3A_47 : memref<128x144xf32, #tpu.memory_space<vmem>>) target_semaphore(%run_scoped3A : memref<!tpu.dma_semaphore, #tpu.memory_space<semaphore_mem>>)
      %dma_wait3A = arith.constant 0 : i32
      %dma_wait3A_51 = arith.constant 0 : i32
      %dma_wait3A_52 = tpu.memref_slice %arg9[%dma_wait3A, %dma_wait3A_51] : memref<128x144xf32, #tpu.memory_space<vmem>> -> memref<128x144xf32, #tpu.memory_space<vmem>>
      %dma_wait3A_53 = arith.constant 128 : i32
      %dma_wait3A_54 = arith.constant 0 : i32
      %dma_wait3A_55 = tpu.memref_slice %arg5[%dma_wait3A_53, %dma_wait3A_54] : memref<632x144xf32, #tpu.memory_space<hbm>> -> memref<128x144xf32, #tpu.memory_space<hbm>>
      %dma_wait3A_56 = arith.constant 0 : i32
      %dma_wait3A_57 = arith.constant 0 : i32
      %dma_wait3A_58 = tpu.memref_slice %arg9[%dma_wait3A_56, %dma_wait3A_57] : memref<128x144xf32, #tpu.memory_space<vmem>> -> memref<128x144xf32, #tpu.memory_space<vmem>>
      %dma_wait3A_59 = arith.constant 128 : i32
      %dma_wait3A_60 = arith.constant 0 : i32
      %dma_wait3A_61 = tpu.memref_slice %arg5[%dma_wait3A_59, %dma_wait3A_60] : memref<632x144xf32, #tpu.memory_space<hbm>> -> memref<128x144xf32, #tpu.memory_space<hbm>>
      tpu.wait_dma2 semaphore(%run_scoped3A : memref<!tpu.dma_semaphore, #tpu.memory_space<semaphore_mem>>) src(%dma_wait3A_61 : memref<128x144xf32, #tpu.memory_space<hbm>>) dst(%dma_wait3A_58 : memref<128x144xf32, #tpu.memory_space<vmem>>)
      tpu.yield
    }) : () -> ()
    %add3A_5 = arith.constant 128 : i32
    %add3A_6 = arith.addi %mul3A_0, %add3A_5 : i32
    "tpu.region"() ({
      %run_scoped3A = tpu.sem_alloc : memref<!tpu.dma_semaphore, #tpu.memory_space<semaphore_mem>>
      %dma_start3A = arith.constant 0 : i32
      %dma_start3A_40 = arith.constant 0 : i32
      %dma_start3A_41 = tpu.memref_slice %arg9[%dma_start3A, %dma_start3A_40] : memref<128x144xf32, #tpu.memory_space<vmem>> -> memref<128x144xf32, #tpu.memory_space<vmem>>
      %dma_start3A_42 = arith.constant 0 : i32
      %dma_start3A_43 = tpu.memref_slice %arg10[%add3A_6, %dma_start3A_42] : memref<10112x144xf32, #tpu.memory_space<vmem_shared>> -> memref<128x144xf32, #tpu.memory_space<vmem_shared>>
      %dma_start3A_44 = arith.constant 0 : i32
      %dma_start3A_45 = tpu.memref_slice %arg10[%add3A_6, %dma_start3A_44] : memref<10112x144xf32, #tpu.memory_space<vmem_shared>> -> memref<128x144xf32, #tpu.memory_space<vmem_shared>>
      %dma_start3A_46 = arith.constant 0 : i32
      %dma_start3A_47 = arith.constant 0 : i32
      %dma_start3A_48 = tpu.memref_slice %arg9[%dma_start3A_46, %dma_start3A_47] : memref<128x144xf32, #tpu.memory_space<vmem>> -> memref<128x144xf32, #tpu.memory_space<vmem>>
      tpu.enqueue_dma source(%dma_start3A_48 : memref<128x144xf32, #tpu.memory_space<vmem>>) target(%dma_start3A_45 : memref<128x144xf32, #tpu.memory_space<vmem_shared>>) target_semaphore(%run_scoped3A : memref<!tpu.dma_semaphore, #tpu.memory_space<semaphore_mem>>)
      %dma_wait3A = arith.constant 0 : i32
      %dma_wait3A_49 = arith.constant 0 : i32
      %dma_wait3A_50 = tpu.memref_slice %arg9[%dma_wait3A, %dma_wait3A_49] : memref<128x144xf32, #tpu.memory_space<vmem>> -> memref<128x144xf32, #tpu.memory_space<vmem>>
      %dma_wait3A_51 = arith.constant 0 : i32
      %dma_wait3A_52 = tpu.memref_slice %arg10[%add3A_6, %dma_wait3A_51] : memref<10112x144xf32, #tpu.memory_space<vmem_shared>> -> memref<128x144xf32, #tpu.memory_space<vmem_shared>>
      %dma_wait3A_53 = arith.constant 0 : i32
      %dma_wait3A_54 = tpu.memref_slice %arg10[%add3A_6, %dma_wait3A_53] : memref<10112x144xf32, #tpu.memory_space<vmem_shared>> -> memref<128x144xf32, #tpu.memory_space<vmem_shared>>
      %dma_wait3A_55 = arith.constant 0 : i32
      %dma_wait3A_56 = arith.constant 0 : i32
      %dma_wait3A_57 = tpu.memref_slice %arg9[%dma_wait3A_55, %dma_wait3A_56] : memref<128x144xf32, #tpu.memory_space<vmem>> -> memref<128x144xf32, #tpu.memory_space<vmem>>
      tpu.wait_dma2 semaphore(%run_scoped3A : memref<!tpu.dma_semaphore, #tpu.memory_space<semaphore_mem>>) src(%dma_wait3A_57 : memref<128x144xf32, #tpu.memory_space<vmem>>) dst(%dma_wait3A_54 : memref<128x144xf32, #tpu.memory_space<vmem_shared>>)
      tpu.yield
    }) : () -> ()
    "tpu.region"() ({
      %run_scoped3A = tpu.sem_alloc : memref<!tpu.dma_semaphore, #tpu.memory_space<semaphore_mem>>
      %dma_start3A = arith.constant 0 : i32
      %dma_start3A_40 = arith.constant 0 : i32
      %dma_start3A_41 = tpu.memref_slice %arg9[%dma_start3A, %dma_start3A_40] : memref<128x144xf32, #tpu.memory_space<vmem>> -> memref<128x144xf32, #tpu.memory_space<vmem>>
      %dma_start3A_42 = arith.constant 256 : i32
      %dma_start3A_43 = arith.constant 0 : i32
      %dma_start3A_44 = tpu.memref_slice %arg5[%dma_start3A_42, %dma_start3A_43] : memref<632x144xf32, #tpu.memory_space<hbm>> -> memref<128x144xf32, #tpu.memory_space<hbm>>
      %dma_start3A_45 = arith.constant 0 : i32
      %dma_start3A_46 = arith.constant 0 : i32
      %dma_start3A_47 = tpu.memref_slice %arg9[%dma_start3A_45, %dma_start3A_46] : memref<128x144xf32, #tpu.memory_space<vmem>> -> memref<128x144xf32, #tpu.memory_space<vmem>>
      %dma_start3A_48 = arith.constant 256 : i32
      %dma_start3A_49 = arith.constant 0 : i32
      %dma_start3A_50 = tpu.memref_slice %arg5[%dma_start3A_48, %dma_start3A_49] : memref<632x144xf32, #tpu.memory_space<hbm>> -> memref<128x144xf32, #tpu.memory_space<hbm>>
      tpu.enqueue_dma source(%dma_start3A_50 : memref<128x144xf32, #tpu.memory_space<hbm>>) target(%dma_start3A_47 : memref<128x144xf32, #tpu.memory_space<vmem>>) target_semaphore(%run_scoped3A : memref<!tpu.dma_semaphore, #tpu.memory_space<semaphore_mem>>)
      %dma_wait3A = arith.constant 0 : i32
      %dma_wait3A_51 = arith.constant 0 : i32
      %dma_wait3A_52 = tpu.memref_slice %arg9[%dma_wait3A, %dma_wait3A_51] : memref<128x144xf32, #tpu.memory_space<vmem>> -> memref<128x144xf32, #tpu.memory_space<vmem>>
      %dma_wait3A_53 = arith.constant 256 : i32
      %dma_wait3A_54 = arith.constant 0 : i32
      %dma_wait3A_55 = tpu.memref_slice %arg5[%dma_wait3A_53, %dma_wait3A_54] : memref<632x144xf32, #tpu.memory_space<hbm>> -> memref<128x144xf32, #tpu.memory_space<hbm>>
      %dma_wait3A_56 = arith.constant 0 : i32
      %dma_wait3A_57 = arith.constant 0 : i32
      %dma_wait3A_58 = tpu.memref_slice %arg9[%dma_wait3A_56, %dma_wait3A_57] : memref<128x144xf32, #tpu.memory_space<vmem>> -> memref<128x144xf32, #tpu.memory_space<vmem>>
      %dma_wait3A_59 = arith.constant 256 : i32
      %dma_wait3A_60 = arith.constant 0 : i32
      %dma_wait3A_61 = tpu.memref_slice %arg5[%dma_wait3A_59, %dma_wait3A_60] : memref<632x144xf32, #tpu.memory_space<hbm>> -> memref<128x144xf32, #tpu.memory_space<hbm>>
      tpu.wait_dma2 semaphore(%run_scoped3A : memref<!tpu.dma_semaphore, #tpu.memory_space<semaphore_mem>>) src(%dma_wait3A_61 : memref<128x144xf32, #tpu.memory_space<hbm>>) dst(%dma_wait3A_58 : memref<128x144xf32, #tpu.memory_space<vmem>>)
      tpu.yield
    }) : () -> ()
    %add3A_7 = arith.constant 256 : i32
    %add3A_8 = arith.addi %mul3A_0, %add3A_7 : i32
    "tpu.region"() ({
      %run_scoped3A = tpu.sem_alloc : memref<!tpu.dma_semaphore, #tpu.memory_space<semaphore_mem>>
      %dma_start3A = arith.constant 0 : i32
      %dma_start3A_40 = arith.constant 0 : i32
      %dma_start3A_41 = tpu.memref_slice %arg9[%dma_start3A, %dma_start3A_40] : memref<128x144xf32, #tpu.memory_space<vmem>> -> memref<128x144xf32, #tpu.memory_space<vmem>>
      %dma_start3A_42 = arith.constant 0 : i32
      %dma_start3A_43 = tpu.memref_slice %arg10[%add3A_8, %dma_start3A_42] : memref<10112x144xf32, #tpu.memory_space<vmem_shared>> -> memref<128x144xf32, #tpu.memory_space<vmem_shared>>
      %dma_start3A_44 = arith.constant 0 : i32
      %dma_start3A_45 = tpu.memref_slice %arg10[%add3A_8, %dma_start3A_44] : memref<10112x144xf32, #tpu.memory_space<vmem_shared>> -> memref<128x144xf32, #tpu.memory_space<vmem_shared>>
      %dma_start3A_46 = arith.constant 0 : i32
      %dma_start3A_47 = arith.constant 0 : i32
      %dma_start3A_48 = tpu.memref_slice %arg9[%dma_start3A_46, %dma_start3A_47] : memref<128x144xf32, #tpu.memory_space<vmem>> -> memref<128x144xf32, #tpu.memory_space<vmem>>
      tpu.enqueue_dma source(%dma_start3A_48 : memref<128x144xf32, #tpu.memory_space<vmem>>) target(%dma_start3A_45 : memref<128x144xf32, #tpu.memory_space<vmem_shared>>) target_semaphore(%run_scoped3A : memref<!tpu.dma_semaphore, #tpu.memory_space<semaphore_mem>>)
      %dma_wait3A = arith.constant 0 : i32
      %dma_wait3A_49 = arith.constant 0 : i32
      %dma_wait3A_50 = tpu.memref_slice %arg9[%dma_wait3A, %dma_wait3A_49] : memref<128x144xf32, #tpu.memory_space<vmem>> -> memref<128x144xf32, #tpu.memory_space<vmem>>
      %dma_wait3A_51 = arith.constant 0 : i32
      %dma_wait3A_52 = tpu.memref_slice %arg10[%add3A_8, %dma_wait3A_51] : memref<10112x144xf32, #tpu.memory_space<vmem_shared>> -> memref<128x144xf32, #tpu.memory_space<vmem_shared>>
      %dma_wait3A_53 = arith.constant 0 : i32
      %dma_wait3A_54 = tpu.memref_slice %arg10[%add3A_8, %dma_wait3A_53] : memref<10112x144xf32, #tpu.memory_space<vmem_shared>> -> memref<128x144xf32, #tpu.memory_space<vmem_shared>>
      %dma_wait3A_55 = arith.constant 0 : i32
      %dma_wait3A_56 = arith.constant 0 : i32
      %dma_wait3A_57 = tpu.memref_slice %arg9[%dma_wait3A_55, %dma_wait3A_56] : memref<128x144xf32, #tpu.memory_space<vmem>> -> memref<128x144xf32, #tpu.memory_space<vmem>>
      tpu.wait_dma2 semaphore(%run_scoped3A : memref<!tpu.dma_semaphore, #tpu.memory_space<semaphore_mem>>) src(%dma_wait3A_57 : memref<128x144xf32, #tpu.memory_space<vmem>>) dst(%dma_wait3A_54 : memref<128x144xf32, #tpu.memory_space<vmem_shared>>)
      tpu.yield
    }) : () -> ()
    "tpu.region"() ({
      %run_scoped3A = tpu.sem_alloc : memref<!tpu.dma_semaphore, #tpu.memory_space<semaphore_mem>>
      %dma_start3A = arith.constant 0 : i32
      %dma_start3A_40 = arith.constant 0 : i32
      %dma_start3A_41 = tpu.memref_slice %arg9[%dma_start3A, %dma_start3A_40] : memref<128x144xf32, #tpu.memory_space<vmem>> -> memref<128x144xf32, #tpu.memory_space<vmem>>
      %dma_start3A_42 = arith.constant 384 : i32
      %dma_start3A_43 = arith.constant 0 : i32
      %dma_start3A_44 = tpu.memref_slice %arg5[%dma_start3A_42, %dma_start3A_43] : memref<632x144xf32, #tpu.memory_space<hbm>> -> memref<128x144xf32, #tpu.memory_space<hbm>>
      %dma_start3A_45 = arith.constant 0 : i32
      %dma_start3A_46 = arith.constant 0 : i32
      %dma_start3A_47 = tpu.memref_slice %arg9[%dma_start3A_45, %dma_start3A_46] : memref<128x144xf32, #tpu.memory_space<vmem>> -> memref<128x144xf32, #tpu.memory_space<vmem>>
      %dma_start3A_48 = arith.constant 384 : i32
      %dma_start3A_49 = arith.constant 0 : i32
      %dma_start3A_50 = tpu.memref_slice %arg5[%dma_start3A_48, %dma_start3A_49] : memref<632x144xf32, #tpu.memory_space<hbm>> -> memref<128x144xf32, #tpu.memory_space<hbm>>
      tpu.enqueue_dma source(%dma_start3A_50 : memref<128x144xf32, #tpu.memory_space<hbm>>) target(%dma_start3A_47 : memref<128x144xf32, #tpu.memory_space<vmem>>) target_semaphore(%run_scoped3A : memref<!tpu.dma_semaphore, #tpu.memory_space<semaphore_mem>>)
      %dma_wait3A = arith.constant 0 : i32
      %dma_wait3A_51 = arith.constant 0 : i32
      %dma_wait3A_52 = tpu.memref_slice %arg9[%dma_wait3A, %dma_wait3A_51] : memref<128x144xf32, #tpu.memory_space<vmem>> -> memref<128x144xf32, #tpu.memory_space<vmem>>
      %dma_wait3A_53 = arith.constant 384 : i32
      %dma_wait3A_54 = arith.constant 0 : i32
      %dma_wait3A_55 = tpu.memref_slice %arg5[%dma_wait3A_53, %dma_wait3A_54] : memref<632x144xf32, #tpu.memory_space<hbm>> -> memref<128x144xf32, #tpu.memory_space<hbm>>
      %dma_wait3A_56 = arith.constant 0 : i32
      %dma_wait3A_57 = arith.constant 0 : i32
      %dma_wait3A_58 = tpu.memref_slice %arg9[%dma_wait3A_56, %dma_wait3A_57] : memref<128x144xf32, #tpu.memory_space<vmem>> -> memref<128x144xf32, #tpu.memory_space<vmem>>
      %dma_wait3A_59 = arith.constant 384 : i32
      %dma_wait3A_60 = arith.constant 0 : i32
      %dma_wait3A_61 = tpu.memref_slice %arg5[%dma_wait3A_59, %dma_wait3A_60] : memref<632x144xf32, #tpu.memory_space<hbm>> -> memref<128x144xf32, #tpu.memory_space<hbm>>
      tpu.wait_dma2 semaphore(%run_scoped3A : memref<!tpu.dma_semaphore, #tpu.memory_space<semaphore_mem>>) src(%dma_wait3A_61 : memref<128x144xf32, #tpu.memory_space<hbm>>) dst(%dma_wait3A_58 : memref<128x144xf32, #tpu.memory_space<vmem>>)
      tpu.yield
    }) : () -> ()
    %add3A_9 = arith.constant 384 : i32
    %add3A_10 = arith.addi %mul3A_0, %add3A_9 : i32
    "tpu.region"() ({
      %run_scoped3A = tpu.sem_alloc : memref<!tpu.dma_semaphore, #tpu.memory_space<semaphore_mem>>
      %dma_start3A = arith.constant 0 : i32
      %dma_start3A_40 = arith.constant 0 : i32
      %dma_start3A_41 = tpu.memref_slice %arg9[%dma_start3A, %dma_start3A_40] : memref<128x144xf32, #tpu.memory_space<vmem>> -> memref<128x144xf32, #tpu.memory_space<vmem>>
      %dma_start3A_42 = arith.constant 0 : i32
      %dma_start3A_43 = tpu.memref_slice %arg10[%add3A_10, %dma_start3A_42] : memref<10112x144xf32, #tpu.memory_space<vmem_shared>> -> memref<128x144xf32, #tpu.memory_space<vmem_shared>>
      %dma_start3A_44 = arith.constant 0 : i32
      %dma_start3A_45 = tpu.memref_slice %arg10[%add3A_10, %dma_start3A_44] : memref<10112x144xf32, #tpu.memory_space<vmem_shared>> -> memref<128x144xf32, #tpu.memory_space<vmem_shared>>
      %dma_start3A_46 = arith.constant 0 : i32
      %dma_start3A_47 = arith.constant 0 : i32
      %dma_start3A_48 = tpu.memref_slice %arg9[%dma_start3A_46, %dma_start3A_47] : memref<128x144xf32, #tpu.memory_space<vmem>> -> memref<128x144xf32, #tpu.memory_space<vmem>>
      tpu.enqueue_dma source(%dma_start3A_48 : memref<128x144xf32, #tpu.memory_space<vmem>>) target(%dma_start3A_45 : memref<128x144xf32, #tpu.memory_space<vmem_shared>>) target_semaphore(%run_scoped3A : memref<!tpu.dma_semaphore, #tpu.memory_space<semaphore_mem>>)
      %dma_wait3A = arith.constant 0 : i32
      %dma_wait3A_49 = arith.constant 0 : i32
      %dma_wait3A_50 = tpu.memref_slice %arg9[%dma_wait3A, %dma_wait3A_49] : memref<128x144xf32, #tpu.memory_space<vmem>> -> memref<128x144xf32, #tpu.memory_space<vmem>>
      %dma_wait3A_51 = arith.constant 0 : i32
      %dma_wait3A_52 = tpu.memref_slice %arg10[%add3A_10, %dma_wait3A_51] : memref<10112x144xf32, #tpu.memory_space<vmem_shared>> -> memref<128x144xf32, #tpu.memory_space<vmem_shared>>
      %dma_wait3A_53 = arith.constant 0 : i32
      %dma_wait3A_54 = tpu.memref_slice %arg10[%add3A_10, %dma_wait3A_53] : memref<10112x144xf32, #tpu.memory_space<vmem_shared>> -> memref<128x144xf32, #tpu.memory_space<vmem_shared>>
      %dma_wait3A_55 = arith.constant 0 : i32
      %dma_wait3A_56 = arith.constant 0 : i32
      %dma_wait3A_57 = tpu.memref_slice %arg9[%dma_wait3A_55, %dma_wait3A_56] : memref<128x144xf32, #tpu.memory_space<vmem>> -> memref<128x144xf32, #tpu.memory_space<vmem>>
      tpu.wait_dma2 semaphore(%run_scoped3A : memref<!tpu.dma_semaphore, #tpu.memory_space<semaphore_mem>>) src(%dma_wait3A_57 : memref<128x144xf32, #tpu.memory_space<vmem>>) dst(%dma_wait3A_54 : memref<128x144xf32, #tpu.memory_space<vmem_shared>>)
      tpu.yield
    }) : () -> ()
    "tpu.region"() ({
      %run_scoped3A = tpu.sem_alloc : memref<!tpu.dma_semaphore, #tpu.memory_space<semaphore_mem>>
      %dma_start3A = arith.constant 0 : i32
      %dma_start3A_40 = arith.constant 0 : i32
      %dma_start3A_41 = tpu.memref_slice %arg9[%dma_start3A, %dma_start3A_40] : memref<128x144xf32, #tpu.memory_space<vmem>> -> memref<120x144xf32, #tpu.memory_space<vmem>>
      %dma_start3A_42 = arith.constant 512 : i32
      %dma_start3A_43 = arith.constant 0 : i32
      %dma_start3A_44 = tpu.memref_slice %arg5[%dma_start3A_42, %dma_start3A_43] : memref<632x144xf32, #tpu.memory_space<hbm>> -> memref<120x144xf32, #tpu.memory_space<hbm>>
      %dma_start3A_45 = arith.constant 0 : i32
      %dma_start3A_46 = arith.constant 0 : i32
      %dma_start3A_47 = tpu.memref_slice %arg9[%dma_start3A_45, %dma_start3A_46] : memref<128x144xf32, #tpu.memory_space<vmem>> -> memref<120x144xf32, #tpu.memory_space<vmem>>
      %dma_start3A_48 = arith.constant 512 : i32
      %dma_start3A_49 = arith.constant 0 : i32
      %dma_start3A_50 = tpu.memref_slice %arg5[%dma_start3A_48, %dma_start3A_49] : memref<632x144xf32, #tpu.memory_space<hbm>> -> memref<120x144xf32, #tpu.memory_space<hbm>>
      tpu.enqueue_dma source(%dma_start3A_50 : memref<120x144xf32, #tpu.memory_space<hbm>>) target(%dma_start3A_47 : memref<120x144xf32, #tpu.memory_space<vmem>>) target_semaphore(%run_scoped3A : memref<!tpu.dma_semaphore, #tpu.memory_space<semaphore_mem>>)
      %dma_wait3A = arith.constant 0 : i32
      %dma_wait3A_51 = arith.constant 0 : i32
      %dma_wait3A_52 = tpu.memref_slice %arg9[%dma_wait3A, %dma_wait3A_51] : memref<128x144xf32, #tpu.memory_space<vmem>> -> memref<120x144xf32, #tpu.memory_space<vmem>>
      %dma_wait3A_53 = arith.constant 512 : i32
      %dma_wait3A_54 = arith.constant 0 : i32
      %dma_wait3A_55 = tpu.memref_slice %arg5[%dma_wait3A_53, %dma_wait3A_54] : memref<632x144xf32, #tpu.memory_space<hbm>> -> memref<120x144xf32, #tpu.memory_space<hbm>>
      %dma_wait3A_56 = arith.constant 0 : i32
      %dma_wait3A_57 = arith.constant 0 : i32
      %dma_wait3A_58 = tpu.memref_slice %arg9[%dma_wait3A_56, %dma_wait3A_57] : memref<128x144xf32, #tpu.memory_space<vmem>> -> memref<120x144xf32, #tpu.memory_space<vmem>>
      %dma_wait3A_59 = arith.constant 512 : i32
      %dma_wait3A_60 = arith.constant 0 : i32
      %dma_wait3A_61 = tpu.memref_slice %arg5[%dma_wait3A_59, %dma_wait3A_60] : memref<632x144xf32, #tpu.memory_space<hbm>> -> memref<120x144xf32, #tpu.memory_space<hbm>>
      tpu.wait_dma2 semaphore(%run_scoped3A : memref<!tpu.dma_semaphore, #tpu.memory_space<semaphore_mem>>) src(%dma_wait3A_61 : memref<120x144xf32, #tpu.memory_space<hbm>>) dst(%dma_wait3A_58 : memref<120x144xf32, #tpu.memory_space<vmem>>)
      tpu.yield
    }) : () -> ()
    %add3A_11 = arith.constant 512 : i32
    %add3A_12 = arith.addi %mul3A_0, %add3A_11 : i32
    "tpu.region"() ({
      %run_scoped3A = tpu.sem_alloc : memref<!tpu.dma_semaphore, #tpu.memory_space<semaphore_mem>>
      %dma_start3A = arith.constant 0 : i32
      %dma_start3A_40 = arith.constant 0 : i32
      %dma_start3A_41 = tpu.memref_slice %arg9[%dma_start3A, %dma_start3A_40] : memref<128x144xf32, #tpu.memory_space<vmem>> -> memref<120x144xf32, #tpu.memory_space<vmem>>
      %dma_start3A_42 = arith.constant 0 : i32
      %dma_start3A_43 = tpu.memref_slice %arg10[%add3A_12, %dma_start3A_42] : memref<10112x144xf32, #tpu.memory_space<vmem_shared>> -> memref<120x144xf32, #tpu.memory_space<vmem_shared>>
      %dma_start3A_44 = arith.constant 0 : i32
      %dma_start3A_45 = tpu.memref_slice %arg10[%add3A_12, %dma_start3A_44] : memref<10112x144xf32, #tpu.memory_space<vmem_shared>> -> memref<120x144xf32, #tpu.memory_space<vmem_shared>>
      %dma_start3A_46 = arith.constant 0 : i32
      %dma_start3A_47 = arith.constant 0 : i32
      %dma_start3A_48 = tpu.memref_slice %arg9[%dma_start3A_46, %dma_start3A_47] : memref<128x144xf32, #tpu.memory_space<vmem>> -> memref<120x144xf32, #tpu.memory_space<vmem>>
      tpu.enqueue_dma source(%dma_start3A_48 : memref<120x144xf32, #tpu.memory_space<vmem>>) target(%dma_start3A_45 : memref<120x144xf32, #tpu.memory_space<vmem_shared>>) target_semaphore(%run_scoped3A : memref<!tpu.dma_semaphore, #tpu.memory_space<semaphore_mem>>)
      %dma_wait3A = arith.constant 0 : i32
      %dma_wait3A_49 = arith.constant 0 : i32
      %dma_wait3A_50 = tpu.memref_slice %arg9[%dma_wait3A, %dma_wait3A_49] : memref<128x144xf32, #tpu.memory_space<vmem>> -> memref<120x144xf32, #tpu.memory_space<vmem>>
      %dma_wait3A_51 = arith.constant 0 : i32
      %dma_wait3A_52 = tpu.memref_slice %arg10[%add3A_12, %dma_wait3A_51] : memref<10112x144xf32, #tpu.memory_space<vmem_shared>> -> memref<120x144xf32, #tpu.memory_space<vmem_shared>>
      %dma_wait3A_53 = arith.constant 0 : i32
      %dma_wait3A_54 = tpu.memref_slice %arg10[%add3A_12, %dma_wait3A_53] : memref<10112x144xf32, #tpu.memory_space<vmem_shared>> -> memref<120x144xf32, #tpu.memory_space<vmem_shared>>
      %dma_wait3A_55 = arith.constant 0 : i32
      %dma_wait3A_56 = arith.constant 0 : i32
      %dma_wait3A_57 = tpu.memref_slice %arg9[%dma_wait3A_55, %dma_wait3A_56] : memref<128x144xf32, #tpu.memory_space<vmem>> -> memref<120x144xf32, #tpu.memory_space<vmem>>
      tpu.wait_dma2 semaphore(%run_scoped3A : memref<!tpu.dma_semaphore, #tpu.memory_space<semaphore_mem>>) src(%dma_wait3A_57 : memref<120x144xf32, #tpu.memory_space<vmem>>) dst(%dma_wait3A_54 : memref<120x144xf32, #tpu.memory_space<vmem_shared>>)
      tpu.yield
    }) : () -> ()
    %barrier3A = arith.constant 0 : index
    tpu.barrier barrier_id(%barrier3A)
    %mul3A_13 = arith.constant 10112 : i32
    %mul3A_14 = arith.muli %arg1, %mul3A_13 : i32
    %scan3A = arith.constant 0 : i32
    %scan3A_15 = arith.constant 79 : i32
    %scan3A_16 = arith.addi %scan3A, %scan3A_15 : i32
    %scan3A_17 = arith.constant 1 : i32
    scf.for %scan3A_40 = %scan3A to %scan3A_16 step %scan3A_17  : i32 {
      %mul3A_41 = arith.constant 1 : i32
      %mul3A_42 = arith.muli %scan3A_40, %mul3A_41 : i32
      %add3A_43 = arith.constant 0 : i32
      %add3A_44 = arith.addi %add3A_43, %mul3A_42 : i32
      %mul3A_45 = arith.constant 161792 : i32
      %mul3A_46 = arith.muli %arg0, %mul3A_45 : i32
      %add3A_47 = arith.addi %mul3A_46, %mul3A_14 : i32
      %mul3A_48 = arith.constant 128 : i32
      %mul3A_49 = arith.muli %add3A_44, %mul3A_48 : i32
      %add3A_50 = arith.addi %add3A_47, %mul3A_49 : i32
      "tpu.region"() ({
        %run_scoped3A = tpu.sem_alloc : memref<!tpu.dma_semaphore, #tpu.memory_space<semaphore_mem>>
        %dma_start3A = tpu.memref_slice %arg3[%add3A_50] : memref<323584xi32, #tpu.memory_space<hbm>> -> memref<128xi32, #tpu.memory_space<hbm>>
        %dma_start3A_54 = tpu.memref_slice %arg3[%add3A_50] : memref<323584xi32, #tpu.memory_space<hbm>> -> memref<128xi32, #tpu.memory_space<hbm>>
        tpu.enqueue_dma source(%dma_start3A_54 : memref<128xi32, #tpu.memory_space<hbm>>) target(%arg7 : memref<128xi32, #tpu.memory_space<vmem>>) target_semaphore(%run_scoped3A : memref<!tpu.dma_semaphore, #tpu.memory_space<semaphore_mem>>)
        %dma_wait3A = tpu.memref_slice %arg3[%add3A_50] : memref<323584xi32, #tpu.memory_space<hbm>> -> memref<128xi32, #tpu.memory_space<hbm>>
        %dma_wait3A_55 = tpu.memref_slice %arg3[%add3A_50] : memref<323584xi32, #tpu.memory_space<hbm>> -> memref<128xi32, #tpu.memory_space<hbm>>
        tpu.wait_dma2 semaphore(%run_scoped3A : memref<!tpu.dma_semaphore, #tpu.memory_space<semaphore_mem>>) src(%dma_wait3A_55 : memref<128xi32, #tpu.memory_space<hbm>>) dst(%arg7 : memref<128xi32, #tpu.memory_space<vmem>>)
        tpu.yield
      }) : () -> ()
      %mul3A_51 = arith.constant 128 : i32
      %mul3A_52 = arith.muli %add3A_44, %mul3A_51 : i32
      %add3A_53 = arith.addi %mul3A_14, %mul3A_52 : i32
      "tpu.region"() ({
        %run_scoped3A = tpu.sem_alloc : memref<!tpu.dma_semaphore, #tpu.memory_space<semaphore_mem>>
        %dma_start3A = tpu.memref_slice %arg4[%add3A_53] : memref<161792xi32, #tpu.memory_space<hbm>> -> memref<128xi32, #tpu.memory_space<hbm>>
        %dma_start3A_54 = tpu.memref_slice %arg4[%add3A_53] : memref<161792xi32, #tpu.memory_space<hbm>> -> memref<128xi32, #tpu.memory_space<hbm>>
        tpu.enqueue_dma source(%dma_start3A_54 : memref<128xi32, #tpu.memory_space<hbm>>) target(%arg8 : memref<128xi32, #tpu.memory_space<vmem>>) target_semaphore(%run_scoped3A : memref<!tpu.dma_semaphore, #tpu.memory_space<semaphore_mem>>)
        %dma_wait3A = tpu.memref_slice %arg4[%add3A_53] : memref<161792xi32, #tpu.memory_space<hbm>> -> memref<128xi32, #tpu.memory_space<hbm>>
        %dma_wait3A_55 = tpu.memref_slice %arg4[%add3A_53] : memref<161792xi32, #tpu.memory_space<hbm>> -> memref<128xi32, #tpu.memory_space<hbm>>
        tpu.wait_dma2 semaphore(%run_scoped3A : memref<!tpu.dma_semaphore, #tpu.memory_space<semaphore_mem>>) src(%dma_wait3A_55 : memref<128xi32, #tpu.memory_space<hbm>>) dst(%arg8 : memref<128xi32, #tpu.memory_space<vmem>>)
        tpu.yield
      }) : () -> ()
      "tpu.region"() ({
        %run_scoped3A = tpu.sem_alloc : memref<!tpu.dma_semaphore, #tpu.memory_space<semaphore_mem>>
        %dma_start3A = arith.constant 0 : i32
        %dma_start3A_54 = arith.constant 0 : i32
        %dma_start3A_55 = tpu.memref_slice %arg2[%dma_start3A, %dma_start3A_54] : memref<20224x144xf32, #tpu.memory_space<hbm>> -> memref<20224x144xf32, #tpu.memory_space<hbm>>
        tpu.enqueue_indirect_dma source(%dma_start3A_55 : memref<20224x144xf32, #tpu.memory_space<hbm>>) target(%arg9 : memref<128x144xf32, #tpu.memory_space<vmem>>) offsets(%arg7 : memref<128xi32, #tpu.memory_space<vmem>>) semaphore(%run_scoped3A : memref<!tpu.dma_semaphore, #tpu.memory_space<semaphore_mem>>)
        %dma_wait3A = arith.constant 0 : i32
        %dma_wait3A_56 = arith.constant 0 : i32
        %dma_wait3A_57 = tpu.memref_slice %arg2[%dma_wait3A, %dma_wait3A_56] : memref<20224x144xf32, #tpu.memory_space<hbm>> -> memref<20224x144xf32, #tpu.memory_space<hbm>>
        tpu.wait_indirect_dma semaphore(%run_scoped3A : memref<!tpu.dma_semaphore, #tpu.memory_space<semaphore_mem>>) src(%dma_wait3A_57 : memref<20224x144xf32, #tpu.memory_space<hbm>>) dst(%arg9 : memref<128x144xf32, #tpu.memory_space<vmem>>)
        tpu.yield
      }) : () -> ()
      "tpu.region"() ({
        %run_scoped3A = tpu.sem_alloc : memref<!tpu.dma_semaphore, #tpu.memory_space<semaphore_mem>>
        %dma_start3A = arith.constant 0 : i32
        %dma_start3A_54 = arith.constant 0 : i32
        %dma_start3A_55 = tpu.memref_slice %arg10[%dma_start3A, %dma_start3A_54] : memref<10112x144xf32, #tpu.memory_space<vmem_shared>> -> memref<10112x144xf32, #tpu.memory_space<vmem_shared>>
        tpu.enqueue_indirect_dma source(%arg9 : memref<128x144xf32, #tpu.memory_space<vmem>>) target(%dma_start3A_55 : memref<10112x144xf32, #tpu.memory_space<vmem_shared>>) offsets(%arg8 : memref<128xi32, #tpu.memory_space<vmem>>) semaphore(%run_scoped3A : memref<!tpu.dma_semaphore, #tpu.memory_space<semaphore_mem>>) {add = true}
        %dma_wait3A = arith.constant 0 : i32
        %dma_wait3A_56 = arith.constant 0 : i32
        %dma_wait3A_57 = tpu.memref_slice %arg10[%dma_wait3A, %dma_wait3A_56] : memref<10112x144xf32, #tpu.memory_space<vmem_shared>> -> memref<10112x144xf32, #tpu.memory_space<vmem_shared>>
        tpu.wait_indirect_dma semaphore(%run_scoped3A : memref<!tpu.dma_semaphore, #tpu.memory_space<semaphore_mem>>) src(%arg9 : memref<128x144xf32, #tpu.memory_space<vmem>>) dst(%dma_wait3A_57 : memref<10112x144xf32, #tpu.memory_space<vmem_shared>>)
        tpu.yield
      }) : () -> ()
    }
    %scan3A_18 = arith.constant 79 : i32
    %barrier3A_19 = arith.constant 0 : index
    tpu.barrier barrier_id(%barrier3A_19)
    %add3A_20 = arith.constant 0 : i32
    %add3A_21 = arith.addi %mul3A_0, %add3A_20 : i32
    "tpu.region"() ({
      %run_scoped3A = tpu.sem_alloc : memref<!tpu.dma_semaphore, #tpu.memory_space<semaphore_mem>>
      %dma_start3A = arith.constant 0 : i32
      %dma_start3A_40 = arith.constant 0 : i32
      %dma_start3A_41 = tpu.memref_slice %arg9[%dma_start3A, %dma_start3A_40] : memref<128x144xf32, #tpu.memory_space<vmem>> -> memref<128x144xf32, #tpu.memory_space<vmem>>
      %dma_start3A_42 = arith.constant 0 : i32
      %dma_start3A_43 = tpu.memref_slice %arg10[%add3A_21, %dma_start3A_42] : memref<10112x144xf32, #tpu.memory_space<vmem_shared>> -> memref<128x144xf32, #tpu.memory_space<vmem_shared>>
      %dma_start3A_44 = arith.constant 0 : i32
      %dma_start3A_45 = arith.constant 0 : i32
      %dma_start3A_46 = tpu.memref_slice %arg9[%dma_start3A_44, %dma_start3A_45] : memref<128x144xf32, #tpu.memory_space<vmem>> -> memref<128x144xf32, #tpu.memory_space<vmem>>
      %dma_start3A_47 = arith.constant 0 : i32
      %dma_start3A_48 = tpu.memref_slice %arg10[%add3A_21, %dma_start3A_47] : memref<10112x144xf32, #tpu.memory_space<vmem_shared>> -> memref<128x144xf32, #tpu.memory_space<vmem_shared>>
      tpu.enqueue_dma source(%dma_start3A_48 : memref<128x144xf32, #tpu.memory_space<vmem_shared>>) target(%dma_start3A_46 : memref<128x144xf32, #tpu.memory_space<vmem>>) target_semaphore(%run_scoped3A : memref<!tpu.dma_semaphore, #tpu.memory_space<semaphore_mem>>)
      %dma_wait3A = arith.constant 0 : i32
      %dma_wait3A_49 = arith.constant 0 : i32
      %dma_wait3A_50 = tpu.memref_slice %arg9[%dma_wait3A, %dma_wait3A_49] : memref<128x144xf32, #tpu.memory_space<vmem>> -> memref<128x144xf32, #tpu.memory_space<vmem>>
      %dma_wait3A_51 = arith.constant 0 : i32
      %dma_wait3A_52 = tpu.memref_slice %arg10[%add3A_21, %dma_wait3A_51] : memref<10112x144xf32, #tpu.memory_space<vmem_shared>> -> memref<128x144xf32, #tpu.memory_space<vmem_shared>>
      %dma_wait3A_53 = arith.constant 0 : i32
      %dma_wait3A_54 = arith.constant 0 : i32
      %dma_wait3A_55 = tpu.memref_slice %arg9[%dma_wait3A_53, %dma_wait3A_54] : memref<128x144xf32, #tpu.memory_space<vmem>> -> memref<128x144xf32, #tpu.memory_space<vmem>>
      %dma_wait3A_56 = arith.constant 0 : i32
      %dma_wait3A_57 = tpu.memref_slice %arg10[%add3A_21, %dma_wait3A_56] : memref<10112x144xf32, #tpu.memory_space<vmem_shared>> -> memref<128x144xf32, #tpu.memory_space<vmem_shared>>
      tpu.wait_dma2 semaphore(%run_scoped3A : memref<!tpu.dma_semaphore, #tpu.memory_space<semaphore_mem>>) src(%dma_wait3A_57 : memref<128x144xf32, #tpu.memory_space<vmem_shared>>) dst(%dma_wait3A_55 : memref<128x144xf32, #tpu.memory_space<vmem>>)
      tpu.yield
    }) : () -> ()
    %add3A_22 = arith.constant 0 : i32
    %add3A_23 = arith.addi %add3A, %add3A_22 : i32
    "tpu.region"() ({
      %run_scoped3A = tpu.sem_alloc : memref<!tpu.dma_semaphore, #tpu.memory_space<semaphore_mem>>
      %dma_start3A = arith.constant 0 : i32
      %dma_start3A_40 = arith.constant 0 : i32
      %dma_start3A_41 = tpu.memref_slice %arg9[%dma_start3A, %dma_start3A_40] : memref<128x144xf32, #tpu.memory_space<vmem>> -> memref<128x144xf32, #tpu.memory_space<vmem>>
      %dma_start3A_42 = arith.constant 0 : i32
      %dma_start3A_43 = tpu.memref_slice %arg6[%add3A_23, %dma_start3A_42] : memref<20224x144xf32, #tpu.memory_space<hbm>> -> memref<128x144xf32, #tpu.memory_space<hbm>>
      %dma_start3A_44 = arith.constant 0 : i32
      %dma_start3A_45 = tpu.memref_slice %arg6[%add3A_23, %dma_start3A_44] : memref<20224x144xf32, #tpu.memory_space<hbm>> -> memref<128x144xf32, #tpu.memory_space<hbm>>
      %dma_start3A_46 = arith.constant 0 : i32
      %dma_start3A_47 = arith.constant 0 : i32
      %dma_start3A_48 = tpu.memref_slice %arg9[%dma_start3A_46, %dma_start3A_47] : memref<128x144xf32, #tpu.memory_space<vmem>> -> memref<128x144xf32, #tpu.memory_space<vmem>>
      tpu.enqueue_dma source(%dma_start3A_48 : memref<128x144xf32, #tpu.memory_space<vmem>>) target(%dma_start3A_45 : memref<128x144xf32, #tpu.memory_space<hbm>>) target_semaphore(%run_scoped3A : memref<!tpu.dma_semaphore, #tpu.memory_space<semaphore_mem>>)
      %dma_wait3A = arith.constant 0 : i32
      %dma_wait3A_49 = arith.constant 0 : i32
      %dma_wait3A_50 = tpu.memref_slice %arg9[%dma_wait3A, %dma_wait3A_49] : memref<128x144xf32, #tpu.memory_space<vmem>> -> memref<128x144xf32, #tpu.memory_space<vmem>>
      %dma_wait3A_51 = arith.constant 0 : i32
      %dma_wait3A_52 = tpu.memref_slice %arg6[%add3A_23, %dma_wait3A_51] : memref<20224x144xf32, #tpu.memory_space<hbm>> -> memref<128x144xf32, #tpu.memory_space<hbm>>
      %dma_wait3A_53 = arith.constant 0 : i32
      %dma_wait3A_54 = tpu.memref_slice %arg6[%add3A_23, %dma_wait3A_53] : memref<20224x144xf32, #tpu.memory_space<hbm>> -> memref<128x144xf32, #tpu.memory_space<hbm>>
      %dma_wait3A_55 = arith.constant 0 : i32
      %dma_wait3A_56 = arith.constant 0 : i32
      %dma_wait3A_57 = tpu.memref_slice %arg9[%dma_wait3A_55, %dma_wait3A_56] : memref<128x144xf32, #tpu.memory_space<vmem>> -> memref<128x144xf32, #tpu.memory_space<vmem>>
      tpu.wait_dma2 semaphore(%run_scoped3A : memref<!tpu.dma_semaphore, #tpu.memory_space<semaphore_mem>>) src(%dma_wait3A_57 : memref<128x144xf32, #tpu.memory_space<vmem>>) dst(%dma_wait3A_54 : memref<128x144xf32, #tpu.memory_space<hbm>>)
      tpu.yield
    }) : () -> ()
    %add3A_24 = arith.constant 128 : i32
    %add3A_25 = arith.addi %mul3A_0, %add3A_24 : i32
    "tpu.region"() ({
      %run_scoped3A = tpu.sem_alloc : memref<!tpu.dma_semaphore, #tpu.memory_space<semaphore_mem>>
      %dma_start3A = arith.constant 0 : i32
      %dma_start3A_40 = arith.constant 0 : i32
      %dma_start3A_41 = tpu.memref_slice %arg9[%dma_start3A, %dma_start3A_40] : memref<128x144xf32, #tpu.memory_space<vmem>> -> memref<128x144xf32, #tpu.memory_space<vmem>>
      %dma_start3A_42 = arith.constant 0 : i32
      %dma_start3A_43 = tpu.memref_slice %arg10[%add3A_25, %dma_start3A_42] : memref<10112x144xf32, #tpu.memory_space<vmem_shared>> -> memref<128x144xf32, #tpu.memory_space<vmem_shared>>
      %dma_start3A_44 = arith.constant 0 : i32
      %dma_start3A_45 = arith.constant 0 : i32
      %dma_start3A_46 = tpu.memref_slice %arg9[%dma_start3A_44, %dma_start3A_45] : memref<128x144xf32, #tpu.memory_space<vmem>> -> memref<128x144xf32, #tpu.memory_space<vmem>>
      %dma_start3A_47 = arith.constant 0 : i32
      %dma_start3A_48 = tpu.memref_slice %arg10[%add3A_25, %dma_start3A_47] : memref<10112x144xf32, #tpu.memory_space<vmem_shared>> -> memref<128x144xf32, #tpu.memory_space<vmem_shared>>
      tpu.enqueue_dma source(%dma_start3A_48 : memref<128x144xf32, #tpu.memory_space<vmem_shared>>) target(%dma_start3A_46 : memref<128x144xf32, #tpu.memory_space<vmem>>) target_semaphore(%run_scoped3A : memref<!tpu.dma_semaphore, #tpu.memory_space<semaphore_mem>>)
      %dma_wait3A = arith.constant 0 : i32
      %dma_wait3A_49 = arith.constant 0 : i32
      %dma_wait3A_50 = tpu.memref_slice %arg9[%dma_wait3A, %dma_wait3A_49] : memref<128x144xf32, #tpu.memory_space<vmem>> -> memref<128x144xf32, #tpu.memory_space<vmem>>
      %dma_wait3A_51 = arith.constant 0 : i32
      %dma_wait3A_52 = tpu.memref_slice %arg10[%add3A_25, %dma_wait3A_51] : memref<10112x144xf32, #tpu.memory_space<vmem_shared>> -> memref<128x144xf32, #tpu.memory_space<vmem_shared>>
      %dma_wait3A_53 = arith.constant 0 : i32
      %dma_wait3A_54 = arith.constant 0 : i32
      %dma_wait3A_55 = tpu.memref_slice %arg9[%dma_wait3A_53, %dma_wait3A_54] : memref<128x144xf32, #tpu.memory_space<vmem>> -> memref<128x144xf32, #tpu.memory_space<vmem>>
      %dma_wait3A_56 = arith.constant 0 : i32
      %dma_wait3A_57 = tpu.memref_slice %arg10[%add3A_25, %dma_wait3A_56] : memref<10112x144xf32, #tpu.memory_space<vmem_shared>> -> memref<128x144xf32, #tpu.memory_space<vmem_shared>>
      tpu.wait_dma2 semaphore(%run_scoped3A : memref<!tpu.dma_semaphore, #tpu.memory_space<semaphore_mem>>) src(%dma_wait3A_57 : memref<128x144xf32, #tpu.memory_space<vmem_shared>>) dst(%dma_wait3A_55 : memref<128x144xf32, #tpu.memory_space<vmem>>)
      tpu.yield
    }) : () -> ()
    %add3A_26 = arith.constant 128 : i32
    %add3A_27 = arith.addi %add3A, %add3A_26 : i32
    "tpu.region"() ({
      %run_scoped3A = tpu.sem_alloc : memref<!tpu.dma_semaphore, #tpu.memory_space<semaphore_mem>>
      %dma_start3A = arith.constant 0 : i32
      %dma_start3A_40 = arith.constant 0 : i32
      %dma_start3A_41 = tpu.memref_slice %arg9[%dma_start3A, %dma_start3A_40] : memref<128x144xf32, #tpu.memory_space<vmem>> -> memref<128x144xf32, #tpu.memory_space<vmem>>
      %dma_start3A_42 = arith.constant 0 : i32
      %dma_start3A_43 = tpu.memref_slice %arg6[%add3A_27, %dma_start3A_42] : memref<20224x144xf32, #tpu.memory_space<hbm>> -> memref<128x144xf32, #tpu.memory_space<hbm>>
      %dma_start3A_44 = arith.constant 0 : i32
      %dma_start3A_45 = tpu.memref_slice %arg6[%add3A_27, %dma_start3A_44] : memref<20224x144xf32, #tpu.memory_space<hbm>> -> memref<128x144xf32, #tpu.memory_space<hbm>>
      %dma_start3A_46 = arith.constant 0 : i32
      %dma_start3A_47 = arith.constant 0 : i32
      %dma_start3A_48 = tpu.memref_slice %arg9[%dma_start3A_46, %dma_start3A_47] : memref<128x144xf32, #tpu.memory_space<vmem>> -> memref<128x144xf32, #tpu.memory_space<vmem>>
      tpu.enqueue_dma source(%dma_start3A_48 : memref<128x144xf32, #tpu.memory_space<vmem>>) target(%dma_start3A_45 : memref<128x144xf32, #tpu.memory_space<hbm>>) target_semaphore(%run_scoped3A : memref<!tpu.dma_semaphore, #tpu.memory_space<semaphore_mem>>)
      %dma_wait3A = arith.constant 0 : i32
      %dma_wait3A_49 = arith.constant 0 : i32
      %dma_wait3A_50 = tpu.memref_slice %arg9[%dma_wait3A, %dma_wait3A_49] : memref<128x144xf32, #tpu.memory_space<vmem>> -> memref<128x144xf32, #tpu.memory_space<vmem>>
      %dma_wait3A_51 = arith.constant 0 : i32
      %dma_wait3A_52 = tpu.memref_slice %arg6[%add3A_27, %dma_wait3A_51] : memref<20224x144xf32, #tpu.memory_space<hbm>> -> memref<128x144xf32, #tpu.memory_space<hbm>>
      %dma_wait3A_53 = arith.constant 0 : i32
      %dma_wait3A_54 = tpu.memref_slice %arg6[%add3A_27, %dma_wait3A_53] : memref<20224x144xf32, #tpu.memory_space<hbm>> -> memref<128x144xf32, #tpu.memory_space<hbm>>
      %dma_wait3A_55 = arith.constant 0 : i32
      %dma_wait3A_56 = arith.constant 0 : i32
      %dma_wait3A_57 = tpu.memref_slice %arg9[%dma_wait3A_55, %dma_wait3A_56] : memref<128x144xf32, #tpu.memory_space<vmem>> -> memref<128x144xf32, #tpu.memory_space<vmem>>
      tpu.wait_dma2 semaphore(%run_scoped3A : memref<!tpu.dma_semaphore, #tpu.memory_space<semaphore_mem>>) src(%dma_wait3A_57 : memref<128x144xf32, #tpu.memory_space<vmem>>) dst(%dma_wait3A_54 : memref<128x144xf32, #tpu.memory_space<hbm>>)
      tpu.yield
    }) : () -> ()
    %add3A_28 = arith.constant 256 : i32
    %add3A_29 = arith.addi %mul3A_0, %add3A_28 : i32
    "tpu.region"() ({
      %run_scoped3A = tpu.sem_alloc : memref<!tpu.dma_semaphore, #tpu.memory_space<semaphore_mem>>
      %dma_start3A = arith.constant 0 : i32
      %dma_start3A_40 = arith.constant 0 : i32
      %dma_start3A_41 = tpu.memref_slice %arg9[%dma_start3A, %dma_start3A_40] : memref<128x144xf32, #tpu.memory_space<vmem>> -> memref<128x144xf32, #tpu.memory_space<vmem>>
      %dma_start3A_42 = arith.constant 0 : i32
      %dma_start3A_43 = tpu.memref_slice %arg10[%add3A_29, %dma_start3A_42] : memref<10112x144xf32, #tpu.memory_space<vmem_shared>> -> memref<128x144xf32, #tpu.memory_space<vmem_shared>>
      %dma_start3A_44 = arith.constant 0 : i32
      %dma_start3A_45 = arith.constant 0 : i32
      %dma_start3A_46 = tpu.memref_slice %arg9[%dma_start3A_44, %dma_start3A_45] : memref<128x144xf32, #tpu.memory_space<vmem>> -> memref<128x144xf32, #tpu.memory_space<vmem>>
      %dma_start3A_47 = arith.constant 0 : i32
      %dma_start3A_48 = tpu.memref_slice %arg10[%add3A_29, %dma_start3A_47] : memref<10112x144xf32, #tpu.memory_space<vmem_shared>> -> memref<128x144xf32, #tpu.memory_space<vmem_shared>>
      tpu.enqueue_dma source(%dma_start3A_48 : memref<128x144xf32, #tpu.memory_space<vmem_shared>>) target(%dma_start3A_46 : memref<128x144xf32, #tpu.memory_space<vmem>>) target_semaphore(%run_scoped3A : memref<!tpu.dma_semaphore, #tpu.memory_space<semaphore_mem>>)
      %dma_wait3A = arith.constant 0 : i32
      %dma_wait3A_49 = arith.constant 0 : i32
      %dma_wait3A_50 = tpu.memref_slice %arg9[%dma_wait3A, %dma_wait3A_49] : memref<128x144xf32, #tpu.memory_space<vmem>> -> memref<128x144xf32, #tpu.memory_space<vmem>>
      %dma_wait3A_51 = arith.constant 0 : i32
      %dma_wait3A_52 = tpu.memref_slice %arg10[%add3A_29, %dma_wait3A_51] : memref<10112x144xf32, #tpu.memory_space<vmem_shared>> -> memref<128x144xf32, #tpu.memory_space<vmem_shared>>
      %dma_wait3A_53 = arith.constant 0 : i32
      %dma_wait3A_54 = arith.constant 0 : i32
      %dma_wait3A_55 = tpu.memref_slice %arg9[%dma_wait3A_53, %dma_wait3A_54] : memref<128x144xf32, #tpu.memory_space<vmem>> -> memref<128x144xf32, #tpu.memory_space<vmem>>
      %dma_wait3A_56 = arith.constant 0 : i32
      %dma_wait3A_57 = tpu.memref_slice %arg10[%add3A_29, %dma_wait3A_56] : memref<10112x144xf32, #tpu.memory_space<vmem_shared>> -> memref<128x144xf32, #tpu.memory_space<vmem_shared>>
      tpu.wait_dma2 semaphore(%run_scoped3A : memref<!tpu.dma_semaphore, #tpu.memory_space<semaphore_mem>>) src(%dma_wait3A_57 : memref<128x144xf32, #tpu.memory_space<vmem_shared>>) dst(%dma_wait3A_55 : memref<128x144xf32, #tpu.memory_space<vmem>>)
      tpu.yield
    }) : () -> ()
    %add3A_30 = arith.constant 256 : i32
    %add3A_31 = arith.addi %add3A, %add3A_30 : i32
    "tpu.region"() ({
      %run_scoped3A = tpu.sem_alloc : memref<!tpu.dma_semaphore, #tpu.memory_space<semaphore_mem>>
      %dma_start3A = arith.constant 0 : i32
      %dma_start3A_40 = arith.constant 0 : i32
      %dma_start3A_41 = tpu.memref_slice %arg9[%dma_start3A, %dma_start3A_40] : memref<128x144xf32, #tpu.memory_space<vmem>> -> memref<128x144xf32, #tpu.memory_space<vmem>>
      %dma_start3A_42 = arith.constant 0 : i32
      %dma_start3A_43 = tpu.memref_slice %arg6[%add3A_31, %dma_start3A_42] : memref<20224x144xf32, #tpu.memory_space<hbm>> -> memref<128x144xf32, #tpu.memory_space<hbm>>
      %dma_start3A_44 = arith.constant 0 : i32
      %dma_start3A_45 = tpu.memref_slice %arg6[%add3A_31, %dma_start3A_44] : memref<20224x144xf32, #tpu.memory_space<hbm>> -> memref<128x144xf32, #tpu.memory_space<hbm>>
      %dma_start3A_46 = arith.constant 0 : i32
      %dma_start3A_47 = arith.constant 0 : i32
      %dma_start3A_48 = tpu.memref_slice %arg9[%dma_start3A_46, %dma_start3A_47] : memref<128x144xf32, #tpu.memory_space<vmem>> -> memref<128x144xf32, #tpu.memory_space<vmem>>
      tpu.enqueue_dma source(%dma_start3A_48 : memref<128x144xf32, #tpu.memory_space<vmem>>) target(%dma_start3A_45 : memref<128x144xf32, #tpu.memory_space<hbm>>) target_semaphore(%run_scoped3A : memref<!tpu.dma_semaphore, #tpu.memory_space<semaphore_mem>>)
      %dma_wait3A = arith.constant 0 : i32
      %dma_wait3A_49 = arith.constant 0 : i32
      %dma_wait3A_50 = tpu.memref_slice %arg9[%dma_wait3A, %dma_wait3A_49] : memref<128x144xf32, #tpu.memory_space<vmem>> -> memref<128x144xf32, #tpu.memory_space<vmem>>
      %dma_wait3A_51 = arith.constant 0 : i32
      %dma_wait3A_52 = tpu.memref_slice %arg6[%add3A_31, %dma_wait3A_51] : memref<20224x144xf32, #tpu.memory_space<hbm>> -> memref<128x144xf32, #tpu.memory_space<hbm>>
      %dma_wait3A_53 = arith.constant 0 : i32
      %dma_wait3A_54 = tpu.memref_slice %arg6[%add3A_31, %dma_wait3A_53] : memref<20224x144xf32, #tpu.memory_space<hbm>> -> memref<128x144xf32, #tpu.memory_space<hbm>>
      %dma_wait3A_55 = arith.constant 0 : i32
      %dma_wait3A_56 = arith.constant 0 : i32
      %dma_wait3A_57 = tpu.memref_slice %arg9[%dma_wait3A_55, %dma_wait3A_56] : memref<128x144xf32, #tpu.memory_space<vmem>> -> memref<128x144xf32, #tpu.memory_space<vmem>>
      tpu.wait_dma2 semaphore(%run_scoped3A : memref<!tpu.dma_semaphore, #tpu.memory_space<semaphore_mem>>) src(%dma_wait3A_57 : memref<128x144xf32, #tpu.memory_space<vmem>>) dst(%dma_wait3A_54 : memref<128x144xf32, #tpu.memory_space<hbm>>)
      tpu.yield
    }) : () -> ()
    %add3A_32 = arith.constant 384 : i32
    %add3A_33 = arith.addi %mul3A_0, %add3A_32 : i32
    "tpu.region"() ({
      %run_scoped3A = tpu.sem_alloc : memref<!tpu.dma_semaphore, #tpu.memory_space<semaphore_mem>>
      %dma_start3A = arith.constant 0 : i32
      %dma_start3A_40 = arith.constant 0 : i32
      %dma_start3A_41 = tpu.memref_slice %arg9[%dma_start3A, %dma_start3A_40] : memref<128x144xf32, #tpu.memory_space<vmem>> -> memref<128x144xf32, #tpu.memory_space<vmem>>
      %dma_start3A_42 = arith.constant 0 : i32
      %dma_start3A_43 = tpu.memref_slice %arg10[%add3A_33, %dma_start3A_42] : memref<10112x144xf32, #tpu.memory_space<vmem_shared>> -> memref<128x144xf32, #tpu.memory_space<vmem_shared>>
      %dma_start3A_44 = arith.constant 0 : i32
      %dma_start3A_45 = arith.constant 0 : i32
      %dma_start3A_46 = tpu.memref_slice %arg9[%dma_start3A_44, %dma_start3A_45] : memref<128x144xf32, #tpu.memory_space<vmem>> -> memref<128x144xf32, #tpu.memory_space<vmem>>
      %dma_start3A_47 = arith.constant 0 : i32
      %dma_start3A_48 = tpu.memref_slice %arg10[%add3A_33, %dma_start3A_47] : memref<10112x144xf32, #tpu.memory_space<vmem_shared>> -> memref<128x144xf32, #tpu.memory_space<vmem_shared>>
      tpu.enqueue_dma source(%dma_start3A_48 : memref<128x144xf32, #tpu.memory_space<vmem_shared>>) target(%dma_start3A_46 : memref<128x144xf32, #tpu.memory_space<vmem>>) target_semaphore(%run_scoped3A : memref<!tpu.dma_semaphore, #tpu.memory_space<semaphore_mem>>)
      %dma_wait3A = arith.constant 0 : i32
      %dma_wait3A_49 = arith.constant 0 : i32
      %dma_wait3A_50 = tpu.memref_slice %arg9[%dma_wait3A, %dma_wait3A_49] : memref<128x144xf32, #tpu.memory_space<vmem>> -> memref<128x144xf32, #tpu.memory_space<vmem>>
      %dma_wait3A_51 = arith.constant 0 : i32
      %dma_wait3A_52 = tpu.memref_slice %arg10[%add3A_33, %dma_wait3A_51] : memref<10112x144xf32, #tpu.memory_space<vmem_shared>> -> memref<128x144xf32, #tpu.memory_space<vmem_shared>>
      %dma_wait3A_53 = arith.constant 0 : i32
      %dma_wait3A_54 = arith.constant 0 : i32
      %dma_wait3A_55 = tpu.memref_slice %arg9[%dma_wait3A_53, %dma_wait3A_54] : memref<128x144xf32, #tpu.memory_space<vmem>> -> memref<128x144xf32, #tpu.memory_space<vmem>>
      %dma_wait3A_56 = arith.constant 0 : i32
      %dma_wait3A_57 = tpu.memref_slice %arg10[%add3A_33, %dma_wait3A_56] : memref<10112x144xf32, #tpu.memory_space<vmem_shared>> -> memref<128x144xf32, #tpu.memory_space<vmem_shared>>
      tpu.wait_dma2 semaphore(%run_scoped3A : memref<!tpu.dma_semaphore, #tpu.memory_space<semaphore_mem>>) src(%dma_wait3A_57 : memref<128x144xf32, #tpu.memory_space<vmem_shared>>) dst(%dma_wait3A_55 : memref<128x144xf32, #tpu.memory_space<vmem>>)
      tpu.yield
    }) : () -> ()
    %add3A_34 = arith.constant 384 : i32
    %add3A_35 = arith.addi %add3A, %add3A_34 : i32
    "tpu.region"() ({
      %run_scoped3A = tpu.sem_alloc : memref<!tpu.dma_semaphore, #tpu.memory_space<semaphore_mem>>
      %dma_start3A = arith.constant 0 : i32
      %dma_start3A_40 = arith.constant 0 : i32
      %dma_start3A_41 = tpu.memref_slice %arg9[%dma_start3A, %dma_start3A_40] : memref<128x144xf32, #tpu.memory_space<vmem>> -> memref<128x144xf32, #tpu.memory_space<vmem>>
      %dma_start3A_42 = arith.constant 0 : i32
      %dma_start3A_43 = tpu.memref_slice %arg6[%add3A_35, %dma_start3A_42] : memref<20224x144xf32, #tpu.memory_space<hbm>> -> memref<128x144xf32, #tpu.memory_space<hbm>>
      %dma_start3A_44 = arith.constant 0 : i32
      %dma_start3A_45 = tpu.memref_slice %arg6[%add3A_35, %dma_start3A_44] : memref<20224x144xf32, #tpu.memory_space<hbm>> -> memref<128x144xf32, #tpu.memory_space<hbm>>
      %dma_start3A_46 = arith.constant 0 : i32
      %dma_start3A_47 = arith.constant 0 : i32
      %dma_start3A_48 = tpu.memref_slice %arg9[%dma_start3A_46, %dma_start3A_47] : memref<128x144xf32, #tpu.memory_space<vmem>> -> memref<128x144xf32, #tpu.memory_space<vmem>>
      tpu.enqueue_dma source(%dma_start3A_48 : memref<128x144xf32, #tpu.memory_space<vmem>>) target(%dma_start3A_45 : memref<128x144xf32, #tpu.memory_space<hbm>>) target_semaphore(%run_scoped3A : memref<!tpu.dma_semaphore, #tpu.memory_space<semaphore_mem>>)
      %dma_wait3A = arith.constant 0 : i32
      %dma_wait3A_49 = arith.constant 0 : i32
      %dma_wait3A_50 = tpu.memref_slice %arg9[%dma_wait3A, %dma_wait3A_49] : memref<128x144xf32, #tpu.memory_space<vmem>> -> memref<128x144xf32, #tpu.memory_space<vmem>>
      %dma_wait3A_51 = arith.constant 0 : i32
      %dma_wait3A_52 = tpu.memref_slice %arg6[%add3A_35, %dma_wait3A_51] : memref<20224x144xf32, #tpu.memory_space<hbm>> -> memref<128x144xf32, #tpu.memory_space<hbm>>
      %dma_wait3A_53 = arith.constant 0 : i32
      %dma_wait3A_54 = tpu.memref_slice %arg6[%add3A_35, %dma_wait3A_53] : memref<20224x144xf32, #tpu.memory_space<hbm>> -> memref<128x144xf32, #tpu.memory_space<hbm>>
      %dma_wait3A_55 = arith.constant 0 : i32
      %dma_wait3A_56 = arith.constant 0 : i32
      %dma_wait3A_57 = tpu.memref_slice %arg9[%dma_wait3A_55, %dma_wait3A_56] : memref<128x144xf32, #tpu.memory_space<vmem>> -> memref<128x144xf32, #tpu.memory_space<vmem>>
      tpu.wait_dma2 semaphore(%run_scoped3A : memref<!tpu.dma_semaphore, #tpu.memory_space<semaphore_mem>>) src(%dma_wait3A_57 : memref<128x144xf32, #tpu.memory_space<vmem>>) dst(%dma_wait3A_54 : memref<128x144xf32, #tpu.memory_space<hbm>>)
      tpu.yield
    }) : () -> ()
    %add3A_36 = arith.constant 512 : i32
    %add3A_37 = arith.addi %mul3A_0, %add3A_36 : i32
    "tpu.region"() ({
      %run_scoped3A = tpu.sem_alloc : memref<!tpu.dma_semaphore, #tpu.memory_space<semaphore_mem>>
      %dma_start3A = arith.constant 0 : i32
      %dma_start3A_40 = arith.constant 0 : i32
      %dma_start3A_41 = tpu.memref_slice %arg9[%dma_start3A, %dma_start3A_40] : memref<128x144xf32, #tpu.memory_space<vmem>> -> memref<120x144xf32, #tpu.memory_space<vmem>>
      %dma_start3A_42 = arith.constant 0 : i32
      %dma_start3A_43 = tpu.memref_slice %arg10[%add3A_37, %dma_start3A_42] : memref<10112x144xf32, #tpu.memory_space<vmem_shared>> -> memref<120x144xf32, #tpu.memory_space<vmem_shared>>
      %dma_start3A_44 = arith.constant 0 : i32
      %dma_start3A_45 = arith.constant 0 : i32
      %dma_start3A_46 = tpu.memref_slice %arg9[%dma_start3A_44, %dma_start3A_45] : memref<128x144xf32, #tpu.memory_space<vmem>> -> memref<120x144xf32, #tpu.memory_space<vmem>>
      %dma_start3A_47 = arith.constant 0 : i32
      %dma_start3A_48 = tpu.memref_slice %arg10[%add3A_37, %dma_start3A_47] : memref<10112x144xf32, #tpu.memory_space<vmem_shared>> -> memref<120x144xf32, #tpu.memory_space<vmem_shared>>
      tpu.enqueue_dma source(%dma_start3A_48 : memref<120x144xf32, #tpu.memory_space<vmem_shared>>) target(%dma_start3A_46 : memref<120x144xf32, #tpu.memory_space<vmem>>) target_semaphore(%run_scoped3A : memref<!tpu.dma_semaphore, #tpu.memory_space<semaphore_mem>>)
      %dma_wait3A = arith.constant 0 : i32
      %dma_wait3A_49 = arith.constant 0 : i32
      %dma_wait3A_50 = tpu.memref_slice %arg9[%dma_wait3A, %dma_wait3A_49] : memref<128x144xf32, #tpu.memory_space<vmem>> -> memref<120x144xf32, #tpu.memory_space<vmem>>
      %dma_wait3A_51 = arith.constant 0 : i32
      %dma_wait3A_52 = tpu.memref_slice %arg10[%add3A_37, %dma_wait3A_51] : memref<10112x144xf32, #tpu.memory_space<vmem_shared>> -> memref<120x144xf32, #tpu.memory_space<vmem_shared>>
      %dma_wait3A_53 = arith.constant 0 : i32
      %dma_wait3A_54 = arith.constant 0 : i32
      %dma_wait3A_55 = tpu.memref_slice %arg9[%dma_wait3A_53, %dma_wait3A_54] : memref<128x144xf32, #tpu.memory_space<vmem>> -> memref<120x144xf32, #tpu.memory_space<vmem>>
      %dma_wait3A_56 = arith.constant 0 : i32
      %dma_wait3A_57 = tpu.memref_slice %arg10[%add3A_37, %dma_wait3A_56] : memref<10112x144xf32, #tpu.memory_space<vmem_shared>> -> memref<120x144xf32, #tpu.memory_space<vmem_shared>>
      tpu.wait_dma2 semaphore(%run_scoped3A : memref<!tpu.dma_semaphore, #tpu.memory_space<semaphore_mem>>) src(%dma_wait3A_57 : memref<120x144xf32, #tpu.memory_space<vmem_shared>>) dst(%dma_wait3A_55 : memref<120x144xf32, #tpu.memory_space<vmem>>)
      tpu.yield
    }) : () -> ()
    %add3A_38 = arith.constant 512 : i32
    %add3A_39 = arith.addi %add3A, %add3A_38 : i32
    "tpu.region"() ({
      %run_scoped3A = tpu.sem_alloc : memref<!tpu.dma_semaphore, #tpu.memory_space<semaphore_mem>>
      %dma_start3A = arith.constant 0 : i32
      %dma_start3A_40 = arith.constant 0 : i32
      %dma_start3A_41 = tpu.memref_slice %arg9[%dma_start3A, %dma_start3A_40] : memref<128x144xf32, #tpu.memory_space<vmem>> -> memref<120x144xf32, #tpu.memory_space<vmem>>
      %dma_start3A_42 = arith.constant 0 : i32
      %dma_start3A_43 = tpu.memref_slice %arg6[%add3A_39, %dma_start3A_42] : memref<20224x144xf32, #tpu.memory_space<hbm>> -> memref<120x144xf32, #tpu.memory_space<hbm>>
      %dma_start3A_44 = arith.constant 0 : i32
      %dma_start3A_45 = tpu.memref_slice %arg6[%add3A_39, %dma_start3A_44] : memref<20224x144xf32, #tpu.memory_space<hbm>> -> memref<120x144xf32, #tpu.memory_space<hbm>>
      %dma_start3A_46 = arith.constant 0 : i32
      %dma_start3A_47 = arith.constant 0 : i32
      %dma_start3A_48 = tpu.memref_slice %arg9[%dma_start3A_46, %dma_start3A_47] : memref<128x144xf32, #tpu.memory_space<vmem>> -> memref<120x144xf32, #tpu.memory_space<vmem>>
      tpu.enqueue_dma source(%dma_start3A_48 : memref<120x144xf32, #tpu.memory_space<vmem>>) target(%dma_start3A_45 : memref<120x144xf32, #tpu.memory_space<hbm>>) target_semaphore(%run_scoped3A : memref<!tpu.dma_semaphore, #tpu.memory_space<semaphore_mem>>)
      %dma_wait3A = arith.constant 0 : i32
      %dma_wait3A_49 = arith.constant 0 : i32
      %dma_wait3A_50 = tpu.memref_slice %arg9[%dma_wait3A, %dma_wait3A_49] : memref<128x144xf32, #tpu.memory_space<vmem>> -> memref<120x144xf32, #tpu.memory_space<vmem>>
      %dma_wait3A_51 = arith.constant 0 : i32
      %dma_wait3A_52 = tpu.memref_slice %arg6[%add3A_39, %dma_wait3A_51] : memref<20224x144xf32, #tpu.memory_space<hbm>> -> memref<120x144xf32, #tpu.memory_space<hbm>>
      %dma_wait3A_53 = arith.constant 0 : i32
      %dma_wait3A_54 = tpu.memref_slice %arg6[%add3A_39, %dma_wait3A_53] : memref<20224x144xf32, #tpu.memory_space<hbm>> -> memref<120x144xf32, #tpu.memory_space<hbm>>
      %dma_wait3A_55 = arith.constant 0 : i32
      %dma_wait3A_56 = arith.constant 0 : i32
      %dma_wait3A_57 = tpu.memref_slice %arg9[%dma_wait3A_55, %dma_wait3A_56] : memref<128x144xf32, #tpu.memory_space<vmem>> -> memref<120x144xf32, #tpu.memory_space<vmem>>
      tpu.wait_dma2 semaphore(%run_scoped3A : memref<!tpu.dma_semaphore, #tpu.memory_space<semaphore_mem>>) src(%dma_wait3A_57 : memref<120x144xf32, #tpu.memory_space<vmem>>) dst(%dma_wait3A_54 : memref<120x144xf32, #tpu.memory_space<hbm>>)
      tpu.yield
    }) : () -> ()
    return
  }
}

module attributes {stable_mosaic.version = 14 : i64} {
  func.func @body(%arg0: i32, %arg1: memref<1024x256xf32, #tpu.memory_space<vmem>>, %arg2: memref<2x1024x144xf32, #tpu.memory_space<vmem>>, %arg3: memref<256x256xf32, #tpu.memory_space<vmem>>, %arg4: memref<128x256xf32, #tpu.memory_space<vmem>>, %arg5: memref<128x256xf32, #tpu.memory_space<vmem>>, %arg6: memref<1x256xf32, #tpu.memory_space<vmem>>, %arg7: memref<1024x256xf32, #tpu.memory_space<vmem>>) attributes {dimension_semantics = [#tpu.dimension_semantics<arbitrary>], iteration_bounds = array<i64: 10>, scalar_prefetch = 0 : i64, scratch_operands = 0 : i64, tpu.core_type = #tpu.core_type<tc>, window_params = [{transform_indices = @transform_0, window_bounds = array<i64: 1024, 256>}, {transform_indices = @transform_1, window_bounds = array<i64: 2, 1024, 144>}, {pipeline_mode = #tpu.pipeline_mode<synchronous>, transform_indices = @transform_2, window_bounds = array<i64: 256, 256>}, {pipeline_mode = #tpu.pipeline_mode<synchronous>, transform_indices = @transform_3, window_bounds = array<i64: 128, 256>}, {pipeline_mode = #tpu.pipeline_mode<synchronous>, transform_indices = @transform_4, window_bounds = array<i64: 128, 256>}, {pipeline_mode = #tpu.pipeline_mode<synchronous>, transform_indices = @transform_5, window_bounds = array<i64: 1, 256>}, {transform_indices = @transform_6, window_bounds = array<i64: 1024, 256>}]} {
    %get3A = arith.constant 0 : index
    %get3A_0 = arith.constant 0 : index
    %get3A_1 = arith.constant 0 : index
    %get3A_2 = vector.load %arg2[%get3A, %get3A_0, %get3A_1] : memref<2x1024x144xf32, #tpu.memory_space<vmem>>, vector<1x1024x144xf32>
    %get3A_3 = vector.shape_cast %get3A_2 : vector<1x1024x144xf32> to vector<1024x144xf32>
    %get3A_4 = arith.constant 1 : index
    %get3A_5 = arith.constant 0 : index
    %get3A_6 = arith.constant 0 : index
    %get3A_7 = vector.load %arg2[%get3A_4, %get3A_5, %get3A_6] : memref<2x1024x144xf32, #tpu.memory_space<vmem>>, vector<1x1024x144xf32>
    %get3A_8 = vector.shape_cast %get3A_7 : vector<1x1024x144xf32> to vector<1024x144xf32>
    %slice3A = vector.extract_strided_slice %get3A_3 {offsets = [0, 128], sizes = [1024, 1], strides = [1, 1]} : vector<1024x144xf32> to vector<1024x1xf32>
    %max3A = arith.constant 1.000000e+00 : f32
    %max3A_9 = vector.broadcast %max3A : f32 to vector<1024x1xf32>
    %max3A_10 = arith.maximumf %slice3A, %max3A_9 : vector<1024x1xf32>
    %div3A = arith.constant 1.000000e+00 : f32
    %div3A_11 = vector.broadcast %div3A : f32 to vector<1024x1xf32>
    %div3A_12 = arith.divf %div3A_11, %max3A_10 : vector<1024x1xf32>
    %get3A_13 = arith.constant 0 : index
    %get3A_14 = arith.constant 0 : index
    %get3A_15 = vector.load %arg1[%get3A_13, %get3A_14] : memref<1024x256xf32, #tpu.memory_space<vmem>>, vector<1024x256xf32>
    %get3A_16 = arith.constant 0 : index
    %get3A_17 = arith.constant 0 : index
    %get3A_18 = vector.load %arg3[%get3A_16, %get3A_17] : memref<256x256xf32, #tpu.memory_space<vmem>>, vector<256x256xf32>
    %dot_general3A = arith.constant dense<0.000000e+00> : vector<1024x256xf32>
    %dot_general3A_19 = tpu.matmul %get3A_15, %get3A_18, %dot_general3A {dimension_numbers = #tpu.dot_dimension_numbers<[1], [0], [0], [1], [0, 0, 1, 1], [], []>, transpose_lhs_hint = false} : vector<1024x256xf32>, vector<256x256xf32>, vector<1024x256xf32> -> vector<1024x256xf32>
    %slice3A_20 = vector.extract_strided_slice %get3A_3 {offsets = [0, 0], sizes = [1024, 128], strides = [1, 1]} : vector<1024x144xf32> to vector<1024x128xf32>
    %mul3A = vector.broadcast %div3A_12 : vector<1024x1xf32> to vector<1024x128xf32>
    %mul3A_21 = arith.mulf %slice3A_20, %mul3A : vector<1024x128xf32>
    %get3A_22 = arith.constant 0 : index
    %get3A_23 = arith.constant 0 : index
    %get3A_24 = vector.load %arg4[%get3A_22, %get3A_23] : memref<128x256xf32, #tpu.memory_space<vmem>>, vector<128x256xf32>
    %dot_general3A_25 = arith.constant dense<0.000000e+00> : vector<1024x256xf32>
    %dot_general3A_26 = tpu.matmul %mul3A_21, %get3A_24, %dot_general3A_25 {dimension_numbers = #tpu.dot_dimension_numbers<[1], [0], [0], [1], [0, 0, 1, 1], [], []>, transpose_lhs_hint = false} : vector<1024x128xf32>, vector<128x256xf32>, vector<1024x256xf32> -> vector<1024x256xf32>
    %add3A = arith.addf %dot_general3A_19, %dot_general3A_26 : vector<1024x256xf32>
    %slice3A_27 = vector.extract_strided_slice %get3A_8 {offsets = [0, 0], sizes = [1024, 128], strides = [1, 1]} : vector<1024x144xf32> to vector<1024x128xf32>
    %mul3A_28 = vector.broadcast %div3A_12 : vector<1024x1xf32> to vector<1024x128xf32>
    %mul3A_29 = arith.mulf %slice3A_27, %mul3A_28 : vector<1024x128xf32>
    %get3A_30 = arith.constant 0 : index
    %get3A_31 = arith.constant 0 : index
    %get3A_32 = vector.load %arg5[%get3A_30, %get3A_31] : memref<128x256xf32, #tpu.memory_space<vmem>>, vector<128x256xf32>
    %dot_general3A_33 = arith.constant dense<0.000000e+00> : vector<1024x256xf32>
    %dot_general3A_34 = tpu.matmul %mul3A_29, %get3A_32, %dot_general3A_33 {dimension_numbers = #tpu.dot_dimension_numbers<[1], [0], [0], [1], [0, 0, 1, 1], [], []>, transpose_lhs_hint = false} : vector<1024x128xf32>, vector<128x256xf32>, vector<1024x256xf32> -> vector<1024x256xf32>
    %add3A_35 = arith.addf %add3A, %dot_general3A_34 : vector<1024x256xf32>
    %get3A_36 = arith.constant 0 : index
    %get3A_37 = arith.constant 0 : index
    %get3A_38 = vector.load %arg6[%get3A_36, %get3A_37] : memref<1x256xf32, #tpu.memory_space<vmem>>, vector<1x256xf32>
    %add3A_39 = vector.broadcast %get3A_38 : vector<1x256xf32> to vector<1024x256xf32>
    %add3A_40 = arith.addf %add3A_35, %add3A_39 : vector<1024x256xf32>
    %swap3A = arith.constant 0 : index
    %swap3A_41 = arith.constant 0 : index
    %swap3A_42 = vector.load %arg7[%swap3A, %swap3A_41] : memref<1024x256xf32, #tpu.memory_space<vmem>>, vector<1024x256xf32>
    tpu.vector_store %arg7[%swap3A, %swap3A_41], %add3A_40 {strides = array<i32>} : memref<1024x256xf32, #tpu.memory_space<vmem>>, vector<1024x256xf32>,
    return
  }
  func.func @transform_0(%arg0: i32) -> (i32, i32) {
    %c0_i32 = arith.constant 0 : i32
    %c0_i32_0 = arith.constant 0 : i32
    return %arg0, %c0_i32 : i32, i32
  }
  func.func @transform_1(%arg0: i32) -> (i32, i32, i32) {
    %c0_i32 = arith.constant 0 : i32
    %c0_i32_0 = arith.constant 0 : i32
    %c0_i32_1 = arith.constant 0 : i32
    return %c0_i32, %arg0, %c0_i32_0 : i32, i32, i32
  }
  func.func @transform_2(%arg0: i32) -> (i32, i32) {
    %c0_i32 = arith.constant 0 : i32
    %c0_i32_0 = arith.constant 0 : i32
    %c0_i32_1 = arith.constant 0 : i32
    return %c0_i32, %c0_i32_0 : i32, i32
  }
  func.func @transform_3(%arg0: i32) -> (i32, i32) {
    %c0_i32 = arith.constant 0 : i32
    %c0_i32_0 = arith.constant 0 : i32
    %c0_i32_1 = arith.constant 0 : i32
    return %c0_i32, %c0_i32_0 : i32, i32
  }
  func.func @transform_4(%arg0: i32) -> (i32, i32) {
    %c0_i32 = arith.constant 0 : i32
    %c0_i32_0 = arith.constant 0 : i32
    %c0_i32_1 = arith.constant 0 : i32
    return %c0_i32, %c0_i32_0 : i32, i32
  }
  func.func @transform_5(%arg0: i32) -> (i32, i32) {
    %c0_i32 = arith.constant 0 : i32
    %c0_i32_0 = arith.constant 0 : i32
    %c0_i32_1 = arith.constant 0 : i32
    return %c0_i32, %c0_i32_0 : i32, i32
  }
  func.func @transform_6(%arg0: i32) -> (i32, i32) {
    %c0_i32 = arith.constant 0 : i32
    %c0_i32_0 = arith.constant 0 : i32
    return %arg0, %c0_i32 : i32, i32
  }
}

</mosaic_0001>

<sc_bundles>
// kernel: kernel.4.cloned.1.call-start
scs
__scs_entry_jumppad:
0x0: {  	(pc) =	sbr.rel $0x88, $3  }
0x1: {  	(tag) =	ssettag $0x0;
	lr =	simm.s32 $0x1  }
0x2: {  	[smem:$0x3F9D] =	sst lr;
	_ =	strace $0xD0000000  }
0x3: {  	_ = 	snop  }
0x4: {  	_ = 	snop  }
0x5: {  	_ = 	snop  }
0x6: {  	_ = 	snop  }
0x7: {  	_ = 	snop  }
__scs_overlays_trampoline_lowered:
0x8: {  	[smem:$0x3FAC] =	sst s0  }
0x9: {  	[smem:$0x3FAD] =	sst s1  }
0xa: {  	[smem:$0x3FAE] =	sst s2  }
0xb: {  	[smem:$0x3FAF] =	sst s3  }
0xc: {  	[smem:$0x3FB0] =	sst s4  }
0xd: {  	[smem:$0x3FB1] =	sst s5  }
0xe: {  	[smem:$0x3FB2] =	sst s6  }
0xf: {  	[smem:$0x3FB3] =	sst s7  }
0x10: {  	[smem:$0x3FB4] =	sst s8  }
0x11: {  	[smem:$0x3FB5] =	sst s9;
	s0 =	simm.s32 @!p0 $0x0  }
0x12: {  	s1 =	sld [smem:$0x3F9B];
	s0 =	simm.s32 @p0 $0x1  }
0x13: {  	[smem:$0x3FB6] =	sst s0;
	s0 =	simm.s32 @!p1 $0x0  }
0x14: {  	s2 =	sld [smem:$0x3F9A];
	s0 =	simm.s32 @p1 $0x1  }
0x15: {  	[smem:$0x3FB7] =	sst s0;
	s0 =	simm.s32 @!p2 $0x0  }
0x16: {  	s3 =	sld [smem:$0x3FDB];
	s0 =	simm.s32 @p2 $0x1  }
0x17: {  	s4 =	simm.s32 $0x1BF5;
	[smem:$0x3FB9] =	sst s0  }
0x18: {  	s0 =	sld [smem:$0x3F9C];
	_ =	swait.ge [sflag:s4], $0x0  }
0x19: {  	s7 =	sld [smem:$0x3F9D]  }
0x1a: {  	s8 =	sadd.s32 $0xFFFFE003, lr  }
0x1b: {  	s9 =	sadd.s32 $0xFFFFFEF7, lr;
	s5 =	simm.s32 $0xFFFFFFFF;
	p2 =	slt.u32 s8, $0xFFFFF086  }
0x1c: {  	p1 =	slt.u32 s9, $0xF7A;
	s5 =	simm.s32 @!p2 $0x0  }
0x1d: {  	s5 =	simm.s32 @p1 $0x1;
	p0 =	seq.s32 s7, s2  }
0x1e: {  	s7 =	smul.u32 @!p0 $0xF7A, s2;
	p2 =	seq.s32 @!p0 s5, $0x0  }
0x1f: {  	s9 =	smul.u32 $0xF7A, s1;
	s8 =	simm.s32 @!p0 $0x1BF5;
	p2 =	por !p2, p0  }
0x20: {  	[sflag:s8] =	ssyncset.s32 @!p0 $0xFFFFF086;
	s6 =	sadd.s32 @!p0 s3, s7;
	s7 =	simm.s32 @!p0 $0x108  }
0x21: {  	s3 =	sadd.s32 s3, s9;
	s6 =	sadd.s32 @!p0 $0x88, s6;
	s7 =	simm.s32 @p2 $0x1082  }
0x22: {  	[simem:s7], [sflag:s8] =	dma.local @!p0 [hbm:s6], $0xF7A  }
0x23: {  	s9 =	sor.u32 $0xD0000000, s2;
	s6 =	simm.s32 $0x108;
	_ =	swait.ge @!p0 [sflag:s8], $0x0  }
0x24: {  	s3 =	sadd.s32 $0x88, s3;
	s6 =	simm.s32 @!p1 $0x1082;
	[sflag:s4] =	ssyncset.s32 $0xFFFFF086  }
0x25: {  	[simem:s6], [sflag:s4] =	dma.local [hbm:s3], $0xF7A  }
0x26: {  	[smem:$0x3F9D] =	sst s1;
	(tag) =	ssettag s2;
	_ =	strace s9  }
0x27: {  	s1 =	sld [smem:$0x3FAD]  }
0x28: {  	s2 =	sld [smem:$0x3FAE]  }
0x29: {  	s4 =	sld [smem:$0x3FB0]  }
0x2a: {  	p0 =	seq.s32 s5, $0x0;
	s5 =	sld [smem:$0x3FB1]  }
0x2b: {  	s6 =	sld [smem:$0x3FB2]  }
0x2c: {  	s7 =	sld [smem:$0x3FB3]  }
0x2d: {  	s3 =	simm.s32 $0x108;
	s8 =	sld [smem:$0x3FB4]  }
0x2e: {  	s3 =	simm.s32 @!p0 $0x1082;
	s9 =	sld [smem:$0x3FB5]  }
0x2f: {  	lr =	sadd.s32 s0, s3;
	s0 =	sld [smem:$0x3FAC]  }
0x30: {  	s3 =	sld [smem:$0x3FAF]  }
0x31: {  	[smem:$0x3FB8] =	sst s10  }
0x32: {  	s10 =	sld [smem:$0x3FB6];
	_ =	sdelay $0x3  }
0x33: {  	p0 =	seq.s32 s10, $0x1;
	s10 =	sld [smem:$0x3FB8];
	_ =	sdelay $0x3  }
0x34: {  	[smem:$0x3FB8] =	sst s10  }
0x35: {  	s10 =	sld [smem:$0x3FB7];
	_ =	sdelay $0x3  }
0x36: {  	p1 =	seq.s32 s10, $0x1;
	s10 =	sld [smem:$0x3FB8];
	_ =	sdelay $0x3  }
0x37: {  	[smem:$0x3FB8] =	sst s10  }
0x38: {  	s10 =	sld [smem:$0x3FB9]  }
0x39: {  	_ = 	snop;
	(pc) =	sbr.ind lr, $3  }
0x3a: {  	_ = 	snop  }
0x3b: {  	_ = 	snop  }
0x3c: {  	p2 =	seq.s32 s10, $0x1;
	s10 =	sld [smem:$0x3FB8]  }
0x3d: {  	_ =	shalt  }
0x3e: {  	_ =	shalt  }
0x3f: {  	_ =	shalt  }
0x40: {  	_ =	shalt  }
0x41: {  	_ =	shalt  }
0x42: {  	_ =	shalt  }
0x43: {  	_ =	shalt  }
0x44: {  	_ =	shalt  }
0x45: {  	_ =	shalt  }
0x46: {  	_ =	shalt  }
0x47: {  	_ =	shalt  }
0x48: {  	_ =	shalt  }
0x49: {  	_ =	shalt  }
0x4a: {  	_ =	shalt  }
0x4b: {  	_ =	shalt  }
0x4c: {  	_ =	shalt  }
0x4d: {  	_ =	shalt  }
0x4e: {  	_ =	shalt  }
0x4f: {  	_ =	shalt  }
0x50: {  	_ =	shalt  }
0x51: {  	_ =	shalt  }
0x52: {  	_ =	shalt  }
0x53: {  	_ =	shalt  }
0x54: {  	_ =	shalt  }
0x55: {  	_ =	shalt  }
0x56: {  	_ =	shalt  }
0x57: {  	_ =	shalt  }
0x58: {  	_ =	shalt  }
0x59: {  	_ =	shalt  }
0x5a: {  	_ =	shalt  }
0x5b: {  	_ =	shalt  }
0x5c: {  	_ =	shalt  }
0x5d: {  	_ =	shalt  }
0x5e: {  	_ =	shalt  }
0x5f: {  	_ =	shalt  }
0x60: {  	_ =	shalt  }
0x61: {  	_ =	shalt  }
0x62: {  	_ =	shalt  }
0x63: {  	_ =	shalt  }
0x64: {  	_ =	shalt  }
0x65: {  	_ =	shalt  }
0x66: {  	_ =	shalt  }
0x67: {  	_ =	shalt  }
0x68: {  	_ =	shalt  }
0x69: {  	_ =	shalt  }
0x6a: {  	_ =	shalt  }
0x6b: {  	_ =	shalt  }
0x6c: {  	_ =	shalt  }
0x6d: {  	_ =	shalt  }
0x6e: {  	_ =	shalt  }
0x6f: {  	_ =	shalt  }
0x70: {  	_ =	shalt  }
0x71: {  	_ =	shalt  }
0x72: {  	_ =	shalt  }
0x73: {  	_ =	shalt  }
0x74: {  	_ =	shalt  }
0x75: {  	_ =	shalt  }
0x76: {  	_ =	shalt  }
0x77: {  	_ =	shalt  }
0x78: {  	_ =	shalt  }
0x79: {  	_ =	shalt  }
0x7a: {  	_ =	shalt  }
0x7b: {  	_ =	shalt  }
0x7c: {  	_ =	shalt  }
0x7d: {  	_ =	shalt  }
0x7e: {  	_ =	shalt  }
0x7f: {  	_ =	shalt  }
0x80: {  	_ =	shalt  }
0x81: {  	_ =	shalt  }
0x82: {  	_ =	shalt  }
0x83: {  	_ =	shalt  }
0x84: {  	_ =	shalt  }
0x85: {  	_ =	shalt  }
0x86: {  	_ =	shalt  }
0x87: {  	_ =	shalt  }
.Lfunc_end0:
.L_simem_size_0:
called_computation_lowered:
.L_overlay_start_0:
0x88: {  	s2 =	sld [smem:$0x3FD9]  }
0x89: {  	s3 =	sld [smem:$0x3FFE];
	_ =	sdelay $0x1  }
0x8a: {  	s1 =	srdreg.scid  }
0x8b: {  	s0 =	sand.u32 $0x1, s1  }
0x8c: {  	s17 =	sshll.u32 s0, $0xA;
	s2 =	sadd.s32 s3, s2  }
0x8d: {  	s2 =	sadd.s32 s2, s17  }
0x8e: {  	[smem:$0x3FC4] =	sst s2  }
0x8f: {  	_ = 	snop  }
0x90: {  	s2 =	sld [smem:$0x3FD0];
	(tm) =	ssettm $0x1  }
0x91: {  	s18 =	sld [smem:$0x3FFB];
	_ =	sdelay $0x3  }
0x92: {  	_ =	strace s18  }
0x93: {  	s3 =	sld [smem:$0x3FFC];
	_ =	sdelay $0x3  }
0x94: {  	_ =	strace s3  }
0x95: {  	s3 =	sld [smem:$0x3FFD];
	_ =	sdelay $0x3  }
0x96: {  	_ =	strace s3  }
0x97: {  	_ =	strace $0x8FFFFFFF  }
0x98: {  	s19 =	sld [smem:$0x3FDB];
	_ =	sdelay $0x1  }
0x99: {  	s4 =	simm.s32 $_scs_section_size  }
0x9a: {  	s5 =	simm.s32 $_size__tile_overlayer_lowered;
	s6 =	simm.s32 $_tile_overlayer_lowered  }
0x9b: {  	s22 =	simm.s32 $0x1BFF;
	s21 =	sshll.u32 s6, $0x1;
	s3 =	sadd.s32 s4, s19  }
0x9c: {  	s7 =	simm.s32 $0x0;
	s20 =	sshll.u32 s5, $0x1;
	s5 =	sadd.s32 s21, s3  }
0x9d: {  	[timem:s7], [sflag:s22] =	dma.local [hbm:s5], s20  }
0x9e: {  	_ =	swait.ge [sflag:s22], s20  }
0x9f: {  	s4 =	ssub.s32 $0x0, s20;
	[sflag:s22] =	ssyncset.done $0x0  }
0xa0: {  	[sflag:s22] =	ssyncadd.s32 s4;
	_ =	sdelay $0x1  }
0xa1: {  	s23 =	simm.s32 $0x1B8B  }
0xa2: {  	_ =	swait.ge [sflag:s23], $0x1  }
0xa3: {  	[sflag:s23] =	ssyncset.done $0x0  }
0xa4: {  	s25 =	simm.s32 $0x1B8E;
	s24 =	sld [smem:$0x3FFE];
	[sflag:s23] =	ssyncadd.s32 $0xFFFFFFFF  }
0xa5: {  	s26 =	simm.s32 $execute0_lowered;
	[smem:$0x3FD2] =	sst s25  }
0xa6: {  	s5 =	sshll.u32 s26, $0x1;
	_ =	strace $0x80000046;
	[dreg:$0x1] =	wrdreg $0xFFFFFFFF  }
0xa7: {  	s28 =	simm.s32 $_size_execute0_lowered;
	s3 =	sadd.s32 s3, s5;
	[dreg:$0x0] =	wrdreg $0x0  }
0xa8: {  	s5 =	sshll.u32 s28, $0x1;
	[dreg:$0x2] =	wrdreg s3  }
0xa9: {  	[dreg:$0x3] =	wrdreg s5  }
0xaa: {  	[dreg:$0x4] =	wrdreg $0xC0  }
0xab: {  	_ =	task [dreg:s7], $0x5FFFF  }
0xac: {  	[dreg:$0x1] =	wrdreg $0xFFFFFFFF  }
0xad: {  	[dreg:$0x0] =	wrdreg $0x60  }
0xae: {  	[dreg:$0x2] =	wrdreg s24  }
0xaf: {  	[dreg:$0x3] =	wrdreg s2  }
0xb0: {  	[dreg:$0x4] =	wrdreg $0x49000  }
0xb1: {  	[dreg:$0x5] =	wrdreg $0x9  }
0xb2: {  	_ =	task.clear_ibuf [dreg:s7], $0x6FFFF;
	_ =	strace $0x90000046  }
0xb3: {  	s29 =	simm.s32 $0x9;
	_ =	strace $0x80000048  }
0xb4: {  	_ =	swait.ge [sflag:s29], $0x1  }
0xb5: {  	[sflag:s29] =	ssyncadd.s32 $0xFFFFFFFF  }
0xb6: {  	_ =	strace $0x90000048  }
0xb7: {  	_ =	sfence  }
0xb8: {  	s30 =	sld [smem:$0x0];
	_ =	sdelay $0x2  }
0xb9: {  	s31 =	sshll.u32 s1, $0xD;
	s1 =	sshrl.u32 s1, $0x2  }
0xba: {  	s3 =	sand.u32 $0x4000, s31;
	s1 =	sadd.s32 s1, s30  }
0xbb: {  	s0 =	sor.u32 s3, s0;
	s1 =	sshll.u32 s1, $0x11  }
0xbc: {  	s0 =	sor.u32 s1, s0  }
0xbd: {  	s0 =	sadd.s32 $0x8F2B, s0  }
0xbe: {  	[sflag:s0] =	ssyncadd.remote.s32 $0x1  }
0xbf: {  	_ =	sfence.sel $0xFFFF  }
0xc0: {  	[dreg:$0x0] =	wrdreg $0xFFFFFFFF;
	(pc) =	sbr.abs _section_cstart, $3  }
0xc1: {  	[dreg:$0x1] =	wrdreg $0xFFFFFFFF  }
0xc2: {  	_ =	task.clear_ibuf [dreg:s7], $0x2FFFF;
	_ =	strace $0x9FFFFFFF  }
0xc3: {  	(tm) =	ssettm $0x7FFFFFFF  }
tec
execute0_lowered:
.L_overlay_start_1:
0x0: {  	(tag) =	ssettag $0x1  }
0x1: {  	s13 =	rddreg [dreg:$0x0]  }
0x2: {  	s21 =	rddreg [dreg:$0x1];
	s1 =	stileid.u32  }
0x3: {  	s2 =	rddreg [dreg:$0x2];
	s3 =	simm.s32 $0x0;
	s5 =	smul.u32 $0x4F0, s1  }
0x4: {  	s6 =	srdreg.scid;
	s24 =	simm.s32 $0x1;
	s29 =	smul.u32 $0x278, s1  }
0x5: {  	s25 =	simm.s32 $0x80;
	s26 =	simm.s32 $0x0;
	s8 =	smul.u32 $0x58E00, s1  }
0x6: {  	[smem:$0x7FF] =	sst s3;
	s9 =	sand.u32 $0x1, s6;
	s15 =	smul.u32 $0x2780, s1  }
0x7: {  	s4 =	sadd.s32 $0x9FA00, s13;
	s16 =	sadd.s32 $0x9600, s13;
	s11 =	smul.u32 $0x2780, s9  }
0x8: {  	_ =	strace $0x80000047;
	s7 =	ssub.s32 $0x2, s9;
	s17 =	smul.u32 $0x27800, s9  }
0x9: {  	s9 =	sadd.s32 $0x7A00, s13;
	s22 =	sadd.s32 s5, s13;
	s10 =	sshrl.u32 s7, $0x1  }
0xa: {  	s5 =	sadd.s32 $0x6800, s13;
	s30 =	sshrl.u32 s8, $0x2;
	s20 =	ssub.s32 s7, s10  }
0xb: {  	s14 =	sadd.s32 s29, s11;
	s6 =	sadd.s32 s30, s2;
	s7 =	sadd.s32 $0x7100, s13  }
0xc: {  	s11 =	sadd.s32 $0x8300, s13;
	s13 =	sadd.s32 $0x8C00, s13;
	s23 =	sadd.s32 s17, s15  }
0xd: {  	s22 =	sadd.s32 $0x1800, s22;
	s8 =	sadd.s32 $0x4800, s6;
	s18 =	smul.u32 $0x90, s14  }
0xe: {  	s10 =	sadd.s32 $0x9000, s6;
	s12 =	sadd.s32 $0xD800, s6;
	s19 =	smul.u32 $0x12, s14  }
0xf: {  	s14 =	sadd.s32 $0x12000, s6;
	s23 =	sshrl.u32 s23, $0x3;
	s18 =	sshrl.u32 s18, $0x3  }
0x10: {  	s20 =	smax.u32 s20, $0x1;
	s21 =	sadd.s32 s23, s21;
	s31 =	sadd.s32 s16, s18  }
0x11: {  	s23 =	simm.s32 $0x100;
	s15 =	sadd.s32 s16, s19;
	s16 =	sadd.s32 $0x900, s31  }
0x12: {  	s17 =	sadd.s32 $0x1200, s31;
	s18 =	sadd.s32 $0x1B00, s31;
	s19 =	sadd.s32 $0x2400, s31  }
.LBB2_1:
0x13: {  	[tilespmem:s23], [sflag:$0x1] =	stream.linear.gather [hbm4b:s5+s3], $0x4800, $0x38;
	[tilespmem:$0x1AC80] =	vst v63  }
0x14: {  	_ =	swait.ge [sflag:s24], $0x4800  }
0x15: {  	[sflag:s24] =	ssyncset.done $0x0  }
0x16: {  	[sflag:s24] =	ssyncadd.s32 $0xFFFFB800  }
0x17: {  	[spmem:s6] =	stream.linear.scatter [tilespmem:s23], [sflag:$0x1], $0x4800, $0x38;
	[tilespmem:$0x1AC80] =	vst v63  }
0x18: {  	_ =	swait.ge [sflag:s24], $0x4800  }
0x19: {  	[sflag:s24] =	ssyncset.done $0x0  }
0x1a: {  	[sflag:s24] =	ssyncadd.s32 $0xFFFFB800  }
0x1b: {  	[tilespmem:s23], [sflag:$0x1] =	stream.linear.gather [hbm4b:s7+s3], $0x4800, $0x38;
	[tilespmem:$0x1AC80] =	vst v63  }
0x1c: {  	_ =	swait.ge [sflag:s24], $0x4800  }
0x1d: {  	[sflag:s24] =	ssyncset.done $0x0  }
0x1e: {  	[sflag:s24] =	ssyncadd.s32 $0xFFFFB800  }
0x1f: {  	[spmem:s8] =	stream.linear.scatter [tilespmem:s23], [sflag:$0x1], $0x4800, $0x38;
	[tilespmem:$0x1AC80] =	vst v63  }
0x20: {  	_ =	swait.ge [sflag:s24], $0x4800  }
0x21: {  	[sflag:s24] =	ssyncset.done $0x0  }
0x22: {  	[sflag:s24] =	ssyncadd.s32 $0xFFFFB800  }
0x23: {  	[tilespmem:s23], [sflag:$0x1] =	stream.linear.gather [hbm4b:s9+s3], $0x4800, $0x38;
	[tilespmem:$0x1AC80] =	vst v63  }
0x24: {  	_ =	swait.ge [sflag:s24], $0x4800  }
0x25: {  	[sflag:s24] =	ssyncset.done $0x0  }
0x26: {  	[sflag:s24] =	ssyncadd.s32 $0xFFFFB800  }
0x27: {  	[spmem:s10] =	stream.linear.scatter [tilespmem:s23], [sflag:$0x1], $0x4800, $0x38;
	[tilespmem:$0x1AC80] =	vst v63  }
0x28: {  	_ =	swait.ge [sflag:s24], $0x4800  }
0x29: {  	[sflag:s24] =	ssyncset.done $0x0  }
0x2a: {  	[sflag:s24] =	ssyncadd.s32 $0xFFFFB800  }
0x2b: {  	[tilespmem:s23], [sflag:$0x1] =	stream.linear.gather [hbm4b:s11+s3], $0x4800, $0x38;
	[tilespmem:$0x1AC80] =	vst v63  }
0x2c: {  	_ =	swait.ge [sflag:s24], $0x4800  }
0x2d: {  	[sflag:s24] =	ssyncset.done $0x0  }
0x2e: {  	[sflag:s24] =	ssyncadd.s32 $0xFFFFB800  }
0x2f: {  	[spmem:s12] =	stream.linear.scatter [tilespmem:s23], [sflag:$0x1], $0x4800, $0x38;
	[tilespmem:$0x1AC80] =	vst v63  }
0x30: {  	_ =	swait.ge [sflag:s24], $0x4800  }
0x31: {  	[sflag:s24] =	ssyncset.done $0x0  }
0x32: {  	[sflag:s24] =	ssyncadd.s32 $0xFFFFB800  }
0x33: {  	[tilespmem:s23], [sflag:$0x1] =	stream.linear.gather [hbm4b:s13+s3], $0x4380, $0x38;
	[tilespmem:$0x1AC80] =	vst v63  }
0x34: {  	_ =	swait.ge [sflag:s24], $0x4380  }
0x35: {  	[sflag:s24] =	ssyncset.done $0x0  }
0x36: {  	[sflag:s24] =	ssyncadd.s32 $0xFFFFBC80  }
0x37: {  	[spmem:s14] =	stream.linear.scatter [tilespmem:s23], [sflag:$0x1], $0x4380, $0x38;
	[tilespmem:$0x1AC80] =	vst v63  }
0x38: {  	_ =	swait.ge [sflag:s24], $0x4380  }
0x39: {  	[sflag:s24] =	ssyncset.done $0x0  }
0x3a: {  	[sflag:s24] =	ssyncadd.s32 $0xFFFFBC80  }
0x3b: {  	s28 =	sadd.s32 $0x0, s21;
	[bflag:$0x0] =	sbarrier.arrive $0xFFFF  }
0x3c: {  	[tilespmem:s3], [sflag:$0x1] =	stream.linear.gather [hbm4b:s28+s3], $0x80, $0x38;
	[tilespmem:$0x1AC80] =	vst v63  }
0x3d: {  	_ =	swait.ge [sflag:s24], $0x80  }
0x3e: {  	[sflag:s24] =	ssyncset.done $0x0  }
0x3f: {  	s28 =	sadd.s32 $0x0, s22;
	[sflag:s24] =	ssyncadd.s32 $0xFFFFFF80  }
0x40: {  	[tilespmem:s25], [sflag:$0x1] =	stream.linear.gather [hbm4b:s28+s3], $0x80, $0x38;
	[tilespmem:$0x1AC80] =	vst v63  }
0x41: {  	_ =	swait.ge [sflag:s24], $0x80  }
0x42: {  	[sflag:s24] =	ssyncset.done $0x0  }
0x43: {  	[sflag:s24] =	ssyncadd.s32 $0xFFFFFF80  }
0x44: {  	[tilespmem:s23], [sflag:$0x1] =	stream.indirect.gather [hbm4b:s4+s25], $0x90, s3, s25, $0xb8;
	[tilespmem:$0x1AC80] =	vst v63  }
0x45: {  	_ =	swait.ge [sflag:s24], $0x4800  }
0x46: {  	[sflag:s24] =	ssyncset.done $0x0  }
0x47: {  	[sflag:s24] =	ssyncadd.s32 $0xFFFFB800  }
0x48: {  	[spmem:s2] =	stream.indirect.scatter.add.f32 [tilespmem:s23], [sflag:$0x1], $0x90, s25, s25, $0xb8;
	[tilespmem:$0x1AC80] =	vst v63  }
0x49: {  	_ =	swait.ge [sflag:s24], $0x4800  }
0x4a: {  	s29 =	simm.s32 $0x20;
	s28 =	simm.s32 $0x10;
	[sflag:s24] =	ssyncset.done $0x0  }
.LBB2_2:
0x4b: {  	s30 =	sadd.s32 s28, s21  }
0x4c: {  	[sflag:s24] =	ssyncadd.s32 $0xFFFFB800;
	s31 =	smov.u32 s29;
	s0 =	sadd.s32 $0x10, s29  }
0x4d: {  	[tilespmem:s3], [sflag:$0x1] =	stream.linear.gather [hbm4b:s30+s3], $0x80, $0x38;
	[tilespmem:$0x1AC80] =	vst v63  }
0x4e: {  	p0 =	sne.s32 s29, $0x4E0;
	_ =	swait.ge [sflag:s24], $0x80  }
0x4f: {  	[sflag:s24] =	ssyncset.done $0x0  }
0x50: {  	s29 =	sadd.s32 s28, s22;
	s28 =	smov.u32 s31;
	[sflag:s24] =	ssyncadd.s32 $0xFFFFFF80  }
0x51: {  	[tilespmem:s25], [sflag:$0x1] =	stream.linear.gather [hbm4b:s29+s3], $0x80, $0x38;
	[tilespmem:$0x1AC80] =	vst v63  }
0x52: {  	_ =	swait.ge [sflag:s24], $0x80  }
0x53: {  	[sflag:s24] =	ssyncset.done $0x0  }
0x54: {  	[sflag:s24] =	ssyncadd.s32 $0xFFFFFF80  }
0x55: {  	[tilespmem:s23], [sflag:$0x1] =	stream.indirect.gather [hbm4b:s4+s25], $0x90, s3, s25, $0xb8;
	[tilespmem:$0x1AC80] =	vst v63  }
0x56: {  	_ =	swait.ge [sflag:s24], $0x4800  }
.Ltmp0:
0x57: {  	[sflag:s24] =	ssyncset.done $0x0;
	(pc) =	sbr.rel @p0 .LBB2_2-.Ltmp0, $4  }
0x58: {  	[sflag:s24] =	ssyncadd.s32 $0xFFFFB800  }
0x59: {  	[spmem:s2] =	stream.indirect.scatter.add.f32 [tilespmem:s23], [sflag:$0x1], $0x90, s25, s25, $0xb8;
	[tilespmem:$0x1AC80] =	vst v63  }
0x5a: {  	_ =	swait.ge [sflag:s24], $0x4800  }
0x5b: {  	s29 =	smov.u32 s0;
	[sflag:s24] =	ssyncset.done $0x0  }
0x5c: {  	s0 =	sadd.s32 s28, s21;
	[sflag:s24] =	ssyncadd.s32 $0xFFFFB800  }
0x5d: {  	[tilespmem:s3], [sflag:$0x1] =	stream.linear.gather [hbm4b:s0+s3], $0x80, $0x38;
	[tilespmem:$0x1AC80] =	vst v63  }
0x5e: {  	_ =	swait.ge [sflag:s24], $0x80  }
0x5f: {  	[sflag:s24] =	ssyncset.done $0x0  }
0x60: {  	s31 =	sadd.s32 s28, s22;
	[sflag:s24] =	ssyncadd.s32 $0xFFFFFF80  }
0x61: {  	[tilespmem:s25], [sflag:$0x1] =	stream.linear.gather [hbm4b:s31+s3], $0x80, $0x38;
	[tilespmem:$0x1AC80] =	vst v63  }
0x62: {  	_ =	swait.ge [sflag:s24], $0x80  }
0x63: {  	[sflag:s24] =	ssyncset.done $0x0  }
0x64: {  	[sflag:s24] =	ssyncadd.s32 $0xFFFFFF80  }
0x65: {  	[tilespmem:s23], [sflag:$0x1] =	stream.indirect.gather [hbm4b:s4+s25], $0x90, s3, s25, $0xb8;
	[tilespmem:$0x1AC80] =	vst v63  }
0x66: {  	_ =	swait.ge [sflag:s24], $0x4800  }
0x67: {  	[sflag:s24] =	ssyncset.done $0x0  }
0x68: {  	[sflag:s24] =	ssyncadd.s32 $0xFFFFB800  }
0x69: {  	[spmem:s2] =	stream.indirect.scatter.add.f32 [tilespmem:s23], [sflag:$0x1], $0x90, s25, s25, $0xb8;
	[tilespmem:$0x1AC80] =	vst v63  }
0x6a: {  	_ =	swait.ge [sflag:s24], $0x4800  }
0x6b: {  	[sflag:s24] =	ssyncset.done $0x0  }
0x6c: {  	[sflag:s24] =	ssyncadd.s32 $0xFFFFB800  }
0x6d: {  	[bflag:$0x0] =	sbarrier.arrive $0xFFFF  }
0x6e: {  	[tilespmem:s23], [sflag:$0x1] =	stream.linear.gather [spmem:s6], $0x4800, $0x38;
	[tilespmem:$0x1AC80] =	vst v63  }
0x6f: {  	_ =	swait.ge [sflag:s24], $0x4800  }
0x70: {  	[sflag:s24] =	ssyncset.done $0x0  }
0x71: {  	[sflag:s24] =	ssyncadd.s32 $0xFFFFB800  }
0x72: {  	[hbm4b:s15+s3] =	stream.linear.scatter [tilespmem:s23], [sflag:$0x1], $0x4800, $0x38;
	[tilespmem:$0x1AC80] =	vst v63  }
0x73: {  	_ =	swait.ge [sflag:s24], $0x4800  }
0x74: {  	[sflag:s24] =	ssyncset.done $0x0  }
0x75: {  	[sflag:s24] =	ssyncadd.s32 $0xFFFFB800  }
0x76: {  	[tilespmem:s23], [sflag:$0x1] =	stream.linear.gather [spmem:s8], $0x4800, $0x38;
	[tilespmem:$0x1AC80] =	vst v63  }
0x77: {  	_ =	swait.ge [sflag:s24], $0x4800  }
0x78: {  	[sflag:s24] =	ssyncset.done $0x0  }
0x79: {  	[sflag:s24] =	ssyncadd.s32 $0xFFFFB800  }
0x7a: {  	[hbm4b:s16+s3] =	stream.linear.scatter [tilespmem:s23], [sflag:$0x1], $0x4800, $0x38;
	[tilespmem:$0x1AC80] =	vst v63  }
0x7b: {  	_ =	swait.ge [sflag:s24], $0x4800  }
0x7c: {  	[sflag:s24] =	ssyncset.done $0x0  }
0x7d: {  	[sflag:s24] =	ssyncadd.s32 $0xFFFFB800  }
0x7e: {  	[tilespmem:s23], [sflag:$0x1] =	stream.linear.gather [spmem:s10], $0x4800, $0x38;
	[tilespmem:$0x1AC80] =	vst v63  }
0x7f: {  	_ =	swait.ge [sflag:s24], $0x4800  }
0x80: {  	[sflag:s24] =	ssyncset.done $0x0  }
0x81: {  	[sflag:s24] =	ssyncadd.s32 $0xFFFFB800  }
0x82: {  	[hbm4b:s17+s3] =	stream.linear.scatter [tilespmem:s23], [sflag:$0x1], $0x4800, $0x38;
	[tilespmem:$0x1AC80] =	vst v63  }
0x83: {  	_ =	swait.ge [sflag:s24], $0x4800  }
0x84: {  	[sflag:s24] =	ssyncset.done $0x0  }
0x85: {  	[sflag:s24] =	ssyncadd.s32 $0xFFFFB800  }
0x86: {  	[tilespmem:s23], [sflag:$0x1] =	stream.linear.gather [spmem:s12], $0x4800, $0x38;
	[tilespmem:$0x1AC80] =	vst v63  }
0x87: {  	_ =	swait.ge [sflag:s24], $0x4800  }
0x88: {  	[sflag:s24] =	ssyncset.done $0x0  }
0x89: {  	[sflag:s24] =	ssyncadd.s32 $0xFFFFB800  }
0x8a: {  	[hbm4b:s18+s3] =	stream.linear.scatter [tilespmem:s23], [sflag:$0x1], $0x4800, $0x38;
	[tilespmem:$0x1AC80] =	vst v63  }
0x8b: {  	_ =	swait.ge [sflag:s24], $0x4800  }
0x8c: {  	[sflag:s24] =	ssyncset.done $0x0  }
0x8d: {  	[sflag:s24] =	ssyncadd.s32 $0xFFFFB800  }
0x8e: {  	[tilespmem:s23], [sflag:$0x1] =	stream.linear.gather [spmem:s14], $0x4380, $0x38;
	[tilespmem:$0x1AC80] =	vst v63  }
0x8f: {  	s26 =	sadd.s32 $0x1, s26;
	_ =	swait.ge [sflag:s24], $0x4380  }
0x90: {  	p0 =	sne.s32 s26, s20;
	[sflag:s24] =	ssyncset.done $0x0  }
.Ltmp1:
0x91: {  	[sflag:s24] =	ssyncadd.s32 $0xFFFFBC80;
	(pc) =	sbr.rel @p0 .LBB2_1-.Ltmp1, $4  }
0x92: {  	[hbm4b:s19+s3] =	stream.linear.scatter [tilespmem:s23], [sflag:$0x1], $0x4380, $0x38;
	[tilespmem:$0x1AC80] =	vst v63  }
0x93: {  	_ =	swait.ge [sflag:s24], $0x4380  }
0x94: {  	[sflag:s24] =	ssyncset.done $0x0  }
0x95: {  	[sflag:s24] =	ssyncadd.s32 $0xFFFFBC80  }
0x96: {  	_ =	sfence.sel $0x180000  }
0x97: {  	[bflag:$0x0] =	sbarrier.arrive $0xFFFF  }
0x98: {  	_ =	strace $0x90000047  }
0x99: {  	[bflag:$0x2] =	sbarrier.arrive $0xFFFF  }
0x9a: {  	p0 =	sne.s32 s1, $0x0;
	s0 =	rddreg [dreg:$0x3]  }
0x9b: {  	s0 =	sadd.s32 @!p0 $0x100000, s0  }
0x9c: {  	[sflag:s0] =	ssyncadd.tile.s32 @!p0 $0x1;
	_ =	shalt  }
.Lfunc_end2:
_tile_overlayer_lowered:
.L_overlay_start_2:
0x9d: {  	(tag) =	ssettag $0x2  }
0x9e: {  	s0 =	rddreg [dreg:$0x0];
	s2 =	stileid.u32  }
0x9f: {  	s1 =	rddreg [dreg:$0x1];
	p0 =	sne.s32 s2, $0x0  }
0xa0: {  	s3 =	rddreg [dreg:$0x2];
	[bflag:$0x3] =	sbarrier.arrive $0xFFFF;
	s2 =	simm.s32 @!p0 $0x1C01  }
0xa1: {  	[timem:s3], [sflag:s2] =	dma.local @!p0 [hbm:s0], s1  }
0xa2: {  	s0 =	simm.s32 @!p0 $0x1  }
0xa3: {  	_ =	swait.ge @!p0 [sflag:s0], s1  }
0xa4: {  	s1 =	ssub.s32 @!p0 $0x0, s1;
	[sflag:s0] =	ssyncset.done @!p0 $0x0  }
0xa5: {  	[sflag:s0] =	ssyncadd.s32 @!p0 s1  }
0xa6: {  	[bflag:$0x3] =	sbarrier.arrive $0xFFFF  }
0xa7: {  	_ =	shalt  }

</sc_bundles>
